<compile_context>
chip_gen: v7x
topology: tpu7x:2x2x1
jax: 0.10.2.dev20260603
libtpu: 0.0.44.dev20260713+nightly
codegen_flags: <defaults>
</compile_context>

<pallas_src>
import functools

import jax
import jax.numpy as jnp
from jax import lax
from jax.experimental import pallas as pl
from jax.experimental.pallas import tpu as pltpu
from jax.experimental.pallas import tpu_sc as plsc

_L = 16


def _make_glove(B, V, D, nc, ns):
    nw = nc * ns
    assert B % nw == 0
    bpw = B // nw
    assert D % _L == 0
    nd = D // _L
    ng = bpw // _L

    mesh = plsc.VectorSubcoreMesh(core_axis_name="c", subcore_axis_name="s")

    @functools.partial(
        pl.kernel,
        out_type=jax.ShapeDtypeStruct((B,), jnp.float32),
        mesh=mesh,
        compiler_params=pltpu.CompilerParams(
            needs_layout_passes=False, use_tc_tiling_on_sc=False),
        scratch_types=[
            pltpu.VMEM((bpw,), jnp.int32),
            pltpu.VMEM((bpw,), jnp.int32),
            pltpu.VMEM((bpw, D), jnp.float32),
            pltpu.VMEM((bpw, D), jnp.float32),
            pltpu.VMEM((bpw,), jnp.float32),
            pltpu.VMEM((bpw,), jnp.float32),
            pltpu.VMEM((_L, _L), jnp.float32),
            pltpu.VMEM((bpw,), jnp.float32),
            pltpu.SemaphoreType.DMA,
        ],
    )
    def glove(left_h, right_h, lemb_h, lbias_h, remb_h, rbias_h, out_h,
              idx_l, idx_r, l_rows, r_rows, bias_l, bias_r, acc_s, out_v, sem):
        wid = lax.axis_index("s") * nc + lax.axis_index("c")
        base = wid * bpw

        pltpu.sync_copy(left_h.at[pl.ds(base, bpw)], idx_l)
        pltpu.sync_copy(right_h.at[pl.ds(base, bpw)], idx_r)

        cps = [
            pltpu.async_copy(lemb_h.at[idx_l], l_rows, sem),
            pltpu.async_copy(remb_h.at[idx_r], r_rows, sem),
            pltpu.async_copy(lbias_h.at[idx_l], bias_l, sem),
            pltpu.async_copy(rbias_h.at[idx_r], bias_r, sem),
        ]
        for cp in cps:
            cp.wait()

        lane = lax.iota(jnp.int32, _L)

        def group(g, carry):
            p0 = g * _L
            for j in range(_L):
                p = p0 + j
                acc = l_rows[p, pl.ds(0, _L)] * r_rows[p, pl.ds(0, _L)]
                for c in range(1, nd):
                    acc = acc + (l_rows[p, pl.ds(c * _L, _L)]
                                 * r_rows[p, pl.ds(c * _L, _L)])
                acc_s[j, pl.ds(0, _L)] = acc
            tot = bias_l[pl.ds(p0, _L)] + bias_r[pl.ds(p0, _L)]
            for d in range(_L):
                tot = tot + plsc.load_gather(
                    acc_s, [lane, jnp.full((_L,), d, jnp.int32)])
            out_v[pl.ds(p0, _L)] = tot
            return carry

        lax.fori_loop(0, ng, group, 0)

        pltpu.sync_copy(out_v, out_h.at[pl.ds(base, bpw)])

    return glove


def kernel(left, right, l_emb, l_bias, r_emb, r_bias):
    B = left.shape[0]
    V, D = l_emb.shape
    info = plsc.get_sparse_core_info()
    fn = _make_glove(B, V, D, info.num_cores, info.num_subcores)
    return fn(
        left.astype(jnp.int32),
        right.astype(jnp.int32),
        l_emb,
        jnp.squeeze(l_bias, 1),
        r_emb,
        jnp.squeeze(r_bias, 1),
    )

# --- scband reference (transcript-rebuilt; emitter-appended) ---
"""Pipeline reference for scband-glove-8169027797372 (READ-ONLY COPY).

The authoritative reference and input builder live on the scoring server;
editing this copy changes nothing except your own understanding.
"""

import jax, jax.numpy as jnp
import numpy as np

V = 1000000
D = 64
B = 16384
PAD = 0


def setup_inputs(seed: int = 0) -> dict:
    key = jax.random.key(seed)
    k1, k2, k3, k4, k5, k6 = jax.random.split(key, 6)
    left = jax.random.randint(k1, (B,), 0, V)
    right = jax.random.randint(k2, (B,), 0, V)
    l_emb = jax.random.normal(k3, (V, D), dtype=jnp.float32) * 0.02
    r_emb = jax.random.normal(k4, (V, D), dtype=jnp.float32) * 0.02
    l_bias = jax.random.normal(k5, (V, 1), dtype=jnp.float32) * 0.02
    r_bias = jax.random.normal(k6, (V, 1), dtype=jnp.float32) * 0.02
    # padding_idx=0 rows are zero, as in nn.Embedding(padding_idx=PAD)
    l_emb = l_emb.at[PAD].set(0.0)
    r_emb = r_emb.at[PAD].set(0.0)
    l_bias = l_bias.at[PAD].set(0.0)
    r_bias = r_bias.at[PAD].set(0.0)
    return {"left": left, "right": right, "l_emb": l_emb, "l_bias": l_bias, "r_emb": r_emb, "r_bias": r_bias}


def reference(left, right, l_emb, l_bias, r_emb, r_bias):
    # Glove.forward with input_dict = {'left': left, 'right': right}
    l_v = jnp.take(l_emb, left, axis=0)   # [B, D]
    l_b = jnp.take(l_bias, left, axis=0)  # [B, 1]
    r_v = jnp.take(r_emb, right, axis=0)  # [B, D]
    r_b = jnp.take(r_bias, right, axis=0)  # [B, 1]
    # indices are 1-D so embeddings are 2-D: no ngram combine branch
    return (l_v * r_v).sum(axis=-1) + jnp.squeeze(l_b, axis=-1) + jnp.squeeze(r_b, axis=-1)

if __name__ == "__main__":
    import jax
    _d = setup_inputs()
    print(jax.jit(kernel)(*tuple(_d.values())))

</pallas_src>

<mosaic_0001>
#map = affine_map<(d0, d1) -> (0)>
#map1 = affine_map<(d0, d1) -> (0, 0)>
module attributes {stable_mosaic.version = 14 : i64} {
  func.func @glove(%arg0: i32, %arg1: i32, %arg2: memref<16384xi32, #tpu.memory_space<hbm>>, %arg3: memref<16384xi32, #tpu.memory_space<hbm>>, %arg4: memref<1000000x64xf32, #tpu.memory_space<hbm>>, %arg5: memref<1000000xf32, #tpu.memory_space<hbm>>, %arg6: memref<1000000x64xf32, #tpu.memory_space<hbm>>, %arg7: memref<1000000xf32, #tpu.memory_space<hbm>>, %arg8: memref<16384xf32, #tpu.memory_space<hbm>>, %arg9: memref<512xi32, #tpu.memory_space<vmem>>, %arg10: memref<512xi32, #tpu.memory_space<vmem>>, %arg11: memref<512x64xf32, #tpu.memory_space<vmem>>, %arg12: memref<512x64xf32, #tpu.memory_space<vmem>>, %arg13: memref<512xf32, #tpu.memory_space<vmem>>, %arg14: memref<512xf32, #tpu.memory_space<vmem>>, %arg15: memref<16x16xf32, #tpu.memory_space<vmem>>, %arg16: memref<512xf32, #tpu.memory_space<vmem>>, %arg17: memref<!tpu.dma_semaphore, #tpu.memory_space<semaphore_mem>>) attributes {dimension_semantics = [#tpu.dimension_semantics<core_parallel>, #tpu.dimension_semantics<subcore_parallel>], iteration_bounds = array<i64: 2, 16>, scalar_prefetch = 0 : i64, scratch_operands = 9 : i64, tpu.core_type = #tpu.core_type<sc_vector_subcore>, window_params = [{transform_indices = #map}, {transform_indices = #map}, {transform_indices = #map1}, {transform_indices = #map}, {transform_indices = #map1}, {transform_indices = #map}, {transform_indices = #map}]} {
    %mul3A = arith.constant 2 : i32
    %mul3A_0 = arith.muli %arg1, %mul3A : i32
    %add3A = arith.addi %mul3A_0, %arg0 : i32
    %mul3A_1 = arith.constant 512 : i32
    %mul3A_2 = arith.muli %add3A, %mul3A_1 : i32
    "tpu.region"() ({
      %run_scoped3A = tpu.sem_alloc : memref<!tpu.dma_semaphore, #tpu.memory_space<semaphore_mem>>
      %dma_start3A_26 = tpu.memref_slice %arg2[%mul3A_2] : memref<16384xi32, #tpu.memory_space<hbm>> -> memref<512xi32, #tpu.memory_space<hbm>>
      %dma_start3A_27 = tpu.memref_slice %arg2[%mul3A_2] : memref<16384xi32, #tpu.memory_space<hbm>> -> memref<512xi32, #tpu.memory_space<hbm>>
      tpu.enqueue_dma source(%dma_start3A_27 : memref<512xi32, #tpu.memory_space<hbm>>) target(%arg9 : memref<512xi32, #tpu.memory_space<vmem>>) target_semaphore(%run_scoped3A : memref<!tpu.dma_semaphore, #tpu.memory_space<semaphore_mem>>)
      %dma_wait3A_28 = tpu.memref_slice %arg2[%mul3A_2] : memref<16384xi32, #tpu.memory_space<hbm>> -> memref<512xi32, #tpu.memory_space<hbm>>
      %dma_wait3A_29 = tpu.memref_slice %arg2[%mul3A_2] : memref<16384xi32, #tpu.memory_space<hbm>> -> memref<512xi32, #tpu.memory_space<hbm>>
      tpu.wait_dma2 semaphore(%run_scoped3A : memref<!tpu.dma_semaphore, #tpu.memory_space<semaphore_mem>>) src(%dma_wait3A_29 : memref<512xi32, #tpu.memory_space<hbm>>) dst(%arg9 : memref<512xi32, #tpu.memory_space<vmem>>)
      tpu.yield
    }) : () -> ()
    "tpu.region"() ({
      %run_scoped3A = tpu.sem_alloc : memref<!tpu.dma_semaphore, #tpu.memory_space<semaphore_mem>>
      %dma_start3A_26 = tpu.memref_slice %arg3[%mul3A_2] : memref<16384xi32, #tpu.memory_space<hbm>> -> memref<512xi32, #tpu.memory_space<hbm>>
      %dma_start3A_27 = tpu.memref_slice %arg3[%mul3A_2] : memref<16384xi32, #tpu.memory_space<hbm>> -> memref<512xi32, #tpu.memory_space<hbm>>
      tpu.enqueue_dma source(%dma_start3A_27 : memref<512xi32, #tpu.memory_space<hbm>>) target(%arg10 : memref<512xi32, #tpu.memory_space<vmem>>) target_semaphore(%run_scoped3A : memref<!tpu.dma_semaphore, #tpu.memory_space<semaphore_mem>>)
      %dma_wait3A_28 = tpu.memref_slice %arg3[%mul3A_2] : memref<16384xi32, #tpu.memory_space<hbm>> -> memref<512xi32, #tpu.memory_space<hbm>>
      %dma_wait3A_29 = tpu.memref_slice %arg3[%mul3A_2] : memref<16384xi32, #tpu.memory_space<hbm>> -> memref<512xi32, #tpu.memory_space<hbm>>
      tpu.wait_dma2 semaphore(%run_scoped3A : memref<!tpu.dma_semaphore, #tpu.memory_space<semaphore_mem>>) src(%dma_wait3A_29 : memref<512xi32, #tpu.memory_space<hbm>>) dst(%arg10 : memref<512xi32, #tpu.memory_space<vmem>>)
      tpu.yield
    }) : () -> ()
    %dma_start3A = arith.constant 0 : i32
    %dma_start3A_3 = arith.constant 0 : i32
    %dma_start3A_4 = tpu.memref_slice %arg4[%dma_start3A, %dma_start3A_3] : memref<1000000x64xf32, #tpu.memory_space<hbm>> -> memref<1000000x64xf32, #tpu.memory_space<hbm>>
    tpu.enqueue_indirect_dma source(%dma_start3A_4 : memref<1000000x64xf32, #tpu.memory_space<hbm>>) target(%arg11 : memref<512x64xf32, #tpu.memory_space<vmem>>) offsets(%arg9 : memref<512xi32, #tpu.memory_space<vmem>>) semaphore(%arg17 : memref<!tpu.dma_semaphore, #tpu.memory_space<semaphore_mem>>)
    %dma_start3A_5 = arith.constant 0 : i32
    %dma_start3A_6 = arith.constant 0 : i32
    %dma_start3A_7 = tpu.memref_slice %arg6[%dma_start3A_5, %dma_start3A_6] : memref<1000000x64xf32, #tpu.memory_space<hbm>> -> memref<1000000x64xf32, #tpu.memory_space<hbm>>
    tpu.enqueue_indirect_dma source(%dma_start3A_7 : memref<1000000x64xf32, #tpu.memory_space<hbm>>) target(%arg12 : memref<512x64xf32, #tpu.memory_space<vmem>>) offsets(%arg10 : memref<512xi32, #tpu.memory_space<vmem>>) semaphore(%arg17 : memref<!tpu.dma_semaphore, #tpu.memory_space<semaphore_mem>>)
    %dma_start3A_8 = arith.constant 0 : i32
    %dma_start3A_9 = tpu.memref_slice %arg5[%dma_start3A_8] : memref<1000000xf32, #tpu.memory_space<hbm>> -> memref<1000000xf32, #tpu.memory_space<hbm>>
    tpu.enqueue_indirect_dma source(%dma_start3A_9 : memref<1000000xf32, #tpu.memory_space<hbm>>) target(%arg13 : memref<512xf32, #tpu.memory_space<vmem>>) offsets(%arg9 : memref<512xi32, #tpu.memory_space<vmem>>) semaphore(%arg17 : memref<!tpu.dma_semaphore, #tpu.memory_space<semaphore_mem>>)
    %dma_start3A_10 = arith.constant 0 : i32
    %dma_start3A_11 = tpu.memref_slice %arg7[%dma_start3A_10] : memref<1000000xf32, #tpu.memory_space<hbm>> -> memref<1000000xf32, #tpu.memory_space<hbm>>
    tpu.enqueue_indirect_dma source(%dma_start3A_11 : memref<1000000xf32, #tpu.memory_space<hbm>>) target(%arg14 : memref<512xf32, #tpu.memory_space<vmem>>) offsets(%arg10 : memref<512xi32, #tpu.memory_space<vmem>>) semaphore(%arg17 : memref<!tpu.dma_semaphore, #tpu.memory_space<semaphore_mem>>)
    %dma_wait3A = arith.constant 0 : i32
    %dma_wait3A_12 = arith.constant 0 : i32
    %dma_wait3A_13 = tpu.memref_slice %arg4[%dma_wait3A, %dma_wait3A_12] : memref<1000000x64xf32, #tpu.memory_space<hbm>> -> memref<1000000x64xf32, #tpu.memory_space<hbm>>
    tpu.wait_indirect_dma semaphore(%arg17 : memref<!tpu.dma_semaphore, #tpu.memory_space<semaphore_mem>>) src(%dma_wait3A_13 : memref<1000000x64xf32, #tpu.memory_space<hbm>>) dst(%arg11 : memref<512x64xf32, #tpu.memory_space<vmem>>)
    %dma_wait3A_14 = arith.constant 0 : i32
    %dma_wait3A_15 = arith.constant 0 : i32
    %dma_wait3A_16 = tpu.memref_slice %arg6[%dma_wait3A_14, %dma_wait3A_15] : memref<1000000x64xf32, #tpu.memory_space<hbm>> -> memref<1000000x64xf32, #tpu.memory_space<hbm>>
    tpu.wait_indirect_dma semaphore(%arg17 : memref<!tpu.dma_semaphore, #tpu.memory_space<semaphore_mem>>) src(%dma_wait3A_16 : memref<1000000x64xf32, #tpu.memory_space<hbm>>) dst(%arg12 : memref<512x64xf32, #tpu.memory_space<vmem>>)
    %dma_wait3A_17 = arith.constant 0 : i32
    %dma_wait3A_18 = tpu.memref_slice %arg5[%dma_wait3A_17] : memref<1000000xf32, #tpu.memory_space<hbm>> -> memref<1000000xf32, #tpu.memory_space<hbm>>
    tpu.wait_indirect_dma semaphore(%arg17 : memref<!tpu.dma_semaphore, #tpu.memory_space<semaphore_mem>>) src(%dma_wait3A_18 : memref<1000000xf32, #tpu.memory_space<hbm>>) dst(%arg13 : memref<512xf32, #tpu.memory_space<vmem>>)
    %dma_wait3A_19 = arith.constant 0 : i32
    %dma_wait3A_20 = tpu.memref_slice %arg7[%dma_wait3A_19] : memref<1000000xf32, #tpu.memory_space<hbm>> -> memref<1000000xf32, #tpu.memory_space<hbm>>
    tpu.wait_indirect_dma semaphore(%arg17 : memref<!tpu.dma_semaphore, #tpu.memory_space<semaphore_mem>>) src(%dma_wait3A_20 : memref<1000000xf32, #tpu.memory_space<hbm>>) dst(%arg14 : memref<512xf32, #tpu.memory_space<vmem>>)
    %iota3A = tpu.iota {dimensions = array<i32: 0>} : vector<16xi32>
    %scan3A = arith.constant 0 : i32
    %scan3A_21 = arith.constant 0 : i32
    %scan3A_22 = arith.constant 32 : i32
    %scan3A_23 = arith.addi %scan3A_21, %scan3A_22 : i32
    %scan3A_24 = arith.constant 1 : i32
    scf.for %scan3A_26 = %scan3A_21 to %scan3A_23 step %scan3A_24  : i32 {
      %mul3A_27 = arith.constant 16 : i32
      %mul3A_28 = arith.muli %scan3A_26, %mul3A_27 : i32
      %add3A_29 = arith.constant 0 : i32
      %add3A_30 = arith.addi %mul3A_28, %add3A_29 : i32
      %get3A = arith.index_cast %add3A_30 : i32 to index
      %get3A_31 = arith.constant 0 : index
      %get3A_32 = tpu.vector_load %arg11[%get3A, %get3A_31] {strides = array<i32>} : memref<512x64xf32, #tpu.memory_space<vmem>>, vector<16xf32>,
      %get3A_33 = arith.index_cast %add3A_30 : i32 to index
      %get3A_34 = arith.constant 0 : index
      %get3A_35 = tpu.vector_load %arg12[%get3A_33, %get3A_34] {strides = array<i32>} : memref<512x64xf32, #tpu.memory_space<vmem>>, vector<16xf32>,
      %mul3A_36 = arith.mulf %get3A_32, %get3A_35 : vector<16xf32>
      %get3A_37 = arith.index_cast %add3A_30 : i32 to index
      %get3A_38 = arith.constant 16 : index
      %get3A_39 = tpu.vector_load %arg11[%get3A_37, %get3A_38] {strides = array<i32>} : memref<512x64xf32, #tpu.memory_space<vmem>>, vector<16xf32>,
      %get3A_40 = arith.index_cast %add3A_30 : i32 to index
      %get3A_41 = arith.constant 16 : index
      %get3A_42 = tpu.vector_load %arg12[%get3A_40, %get3A_41] {strides = array<i32>} : memref<512x64xf32, #tpu.memory_space<vmem>>, vector<16xf32>,
      %mul3A_43 = arith.mulf %get3A_39, %get3A_42 : vector<16xf32>
      %add3A_44 = arith.addf %mul3A_36, %mul3A_43 : vector<16xf32>
      %get3A_45 = arith.index_cast %add3A_30 : i32 to index
      %get3A_46 = arith.constant 32 : index
      %get3A_47 = tpu.vector_load %arg11[%get3A_45, %get3A_46] {strides = array<i32>} : memref<512x64xf32, #tpu.memory_space<vmem>>, vector<16xf32>,
      %get3A_48 = arith.index_cast %add3A_30 : i32 to index
      %get3A_49 = arith.constant 32 : index
      %get3A_50 = tpu.vector_load %arg12[%get3A_48, %get3A_49] {strides = array<i32>} : memref<512x64xf32, #tpu.memory_space<vmem>>, vector<16xf32>,
      %mul3A_51 = arith.mulf %get3A_47, %get3A_50 : vector<16xf32>
      %add3A_52 = arith.addf %add3A_44, %mul3A_51 : vector<16xf32>
      %get3A_53 = arith.index_cast %add3A_30 : i32 to index
      %get3A_54 = arith.constant 48 : index
      %get3A_55 = tpu.vector_load %arg11[%get3A_53, %get3A_54] {strides = array<i32>} : memref<512x64xf32, #tpu.memory_space<vmem>>, vector<16xf32>,
      %get3A_56 = arith.index_cast %add3A_30 : i32 to index
      %get3A_57 = arith.constant 48 : index
      %get3A_58 = tpu.vector_load %arg12[%get3A_56, %get3A_57] {strides = array<i32>} : memref<512x64xf32, #tpu.memory_space<vmem>>, vector<16xf32>,
      %mul3A_59 = arith.mulf %get3A_55, %get3A_58 : vector<16xf32>
      %add3A_60 = arith.addf %add3A_52, %mul3A_59 : vector<16xf32>
      %swap3A = arith.constant 0 : i32
      %swap3A_61 = arith.index_cast %swap3A : i32 to index
      %swap3A_62 = arith.constant 0 : index
      %swap3A_63 = tpu.vector_load %arg15[%swap3A_61, %swap3A_62] {strides = array<i32>} : memref<16x16xf32, #tpu.memory_space<vmem>>, vector<16xf32>,
      tpu.vector_store %arg15[%swap3A_61, %swap3A_62], %add3A_60 {strides = array<i32>} : memref<16x16xf32, #tpu.memory_space<vmem>>, vector<16xf32>,
      %add3A_64 = arith.constant 1 : i32
      %add3A_65 = arith.addi %mul3A_28, %add3A_64 : i32
      %get3A_66 = arith.index_cast %add3A_65 : i32 to index
      %get3A_67 = arith.constant 0 : index
      %get3A_68 = tpu.vector_load %arg11[%get3A_66, %get3A_67] {strides = array<i32>} : memref<512x64xf32, #tpu.memory_space<vmem>>, vector<16xf32>,
      %get3A_69 = arith.index_cast %add3A_65 : i32 to index
      %get3A_70 = arith.constant 0 : index
      %get3A_71 = tpu.vector_load %arg12[%get3A_69, %get3A_70] {strides = array<i32>} : memref<512x64xf32, #tpu.memory_space<vmem>>, vector<16xf32>,
      %mul3A_72 = arith.mulf %get3A_68, %get3A_71 : vector<16xf32>
      %get3A_73 = arith.index_cast %add3A_65 : i32 to index
      %get3A_74 = arith.constant 16 : index
      %get3A_75 = tpu.vector_load %arg11[%get3A_73, %get3A_74] {strides = array<i32>} : memref<512x64xf32, #tpu.memory_space<vmem>>, vector<16xf32>,
      %get3A_76 = arith.index_cast %add3A_65 : i32 to index
      %get3A_77 = arith.constant 16 : index
      %get3A_78 = tpu.vector_load %arg12[%get3A_76, %get3A_77] {strides = array<i32>} : memref<512x64xf32, #tpu.memory_space<vmem>>, vector<16xf32>,
      %mul3A_79 = arith.mulf %get3A_75, %get3A_78 : vector<16xf32>
      %add3A_80 = arith.addf %mul3A_72, %mul3A_79 : vector<16xf32>
      %get3A_81 = arith.index_cast %add3A_65 : i32 to index
      %get3A_82 = arith.constant 32 : index
      %get3A_83 = tpu.vector_load %arg11[%get3A_81, %get3A_82] {strides = array<i32>} : memref<512x64xf32, #tpu.memory_space<vmem>>, vector<16xf32>,
      %get3A_84 = arith.index_cast %add3A_65 : i32 to index
      %get3A_85 = arith.constant 32 : index
      %get3A_86 = tpu.vector_load %arg12[%get3A_84, %get3A_85] {strides = array<i32>} : memref<512x64xf32, #tpu.memory_space<vmem>>, vector<16xf32>,
      %mul3A_87 = arith.mulf %get3A_83, %get3A_86 : vector<16xf32>
      %add3A_88 = arith.addf %add3A_80, %mul3A_87 : vector<16xf32>
      %get3A_89 = arith.index_cast %add3A_65 : i32 to index
      %get3A_90 = arith.constant 48 : index
      %get3A_91 = tpu.vector_load %arg11[%get3A_89, %get3A_90] {strides = array<i32>} : memref<512x64xf32, #tpu.memory_space<vmem>>, vector<16xf32>,
      %get3A_92 = arith.index_cast %add3A_65 : i32 to index
      %get3A_93 = arith.constant 48 : index
      %get3A_94 = tpu.vector_load %arg12[%get3A_92, %get3A_93] {strides = array<i32>} : memref<512x64xf32, #tpu.memory_space<vmem>>, vector<16xf32>,
      %mul3A_95 = arith.mulf %get3A_91, %get3A_94 : vector<16xf32>
      %add3A_96 = arith.addf %add3A_88, %mul3A_95 : vector<16xf32>
      %swap3A_97 = arith.constant 1 : i32
      %swap3A_98 = arith.index_cast %swap3A_97 : i32 to index
      %swap3A_99 = arith.constant 0 : index
      %swap3A_100 = tpu.vector_load %arg15[%swap3A_98, %swap3A_99] {strides = array<i32>} : memref<16x16xf32, #tpu.memory_space<vmem>>, vector<16xf32>,
      tpu.vector_store %arg15[%swap3A_98, %swap3A_99], %add3A_96 {strides = array<i32>} : memref<16x16xf32, #tpu.memory_space<vmem>>, vector<16xf32>,
      %add3A_101 = arith.constant 2 : i32
      %add3A_102 = arith.addi %mul3A_28, %add3A_101 : i32
      %get3A_103 = arith.index_cast %add3A_102 : i32 to index
      %get3A_104 = arith.constant 0 : index
      %get3A_105 = tpu.vector_load %arg11[%get3A_103, %get3A_104] {strides = array<i32>} : memref<512x64xf32, #tpu.memory_space<vmem>>, vector<16xf32>,
      %get3A_106 = arith.index_cast %add3A_102 : i32 to index
      %get3A_107 = arith.constant 0 : index
      %get3A_108 = tpu.vector_load %arg12[%get3A_106, %get3A_107] {strides = array<i32>} : memref<512x64xf32, #tpu.memory_space<vmem>>, vector<16xf32>,
      %mul3A_109 = arith.mulf %get3A_105, %get3A_108 : vector<16xf32>
      %get3A_110 = arith.index_cast %add3A_102 : i32 to index
      %get3A_111 = arith.constant 16 : index
      %get3A_112 = tpu.vector_load %arg11[%get3A_110, %get3A_111] {strides = array<i32>} : memref<512x64xf32, #tpu.memory_space<vmem>>, vector<16xf32>,
      %get3A_113 = arith.index_cast %add3A_102 : i32 to index
      %get3A_114 = arith.constant 16 : index
      %get3A_115 = tpu.vector_load %arg12[%get3A_113, %get3A_114] {strides = array<i32>} : memref<512x64xf32, #tpu.memory_space<vmem>>, vector<16xf32>,
      %mul3A_116 = arith.mulf %get3A_112, %get3A_115 : vector<16xf32>
      %add3A_117 = arith.addf %mul3A_109, %mul3A_116 : vector<16xf32>
      %get3A_118 = arith.index_cast %add3A_102 : i32 to index
      %get3A_119 = arith.constant 32 : index
      %get3A_120 = tpu.vector_load %arg11[%get3A_118, %get3A_119] {strides = array<i32>} : memref<512x64xf32, #tpu.memory_space<vmem>>, vector<16xf32>,
      %get3A_121 = arith.index_cast %add3A_102 : i32 to index
      %get3A_122 = arith.constant 32 : index
      %get3A_123 = tpu.vector_load %arg12[%get3A_121, %get3A_122] {strides = array<i32>} : memref<512x64xf32, #tpu.memory_space<vmem>>, vector<16xf32>,
      %mul3A_124 = arith.mulf %get3A_120, %get3A_123 : vector<16xf32>
      %add3A_125 = arith.addf %add3A_117, %mul3A_124 : vector<16xf32>
      %get3A_126 = arith.index_cast %add3A_102 : i32 to index
      %get3A_127 = arith.constant 48 : index
      %get3A_128 = tpu.vector_load %arg11[%get3A_126, %get3A_127] {strides = array<i32>} : memref<512x64xf32, #tpu.memory_space<vmem>>, vector<16xf32>,
      %get3A_129 = arith.index_cast %add3A_102 : i32 to index
      %get3A_130 = arith.constant 48 : index
      %get3A_131 = tpu.vector_load %arg12[%get3A_129, %get3A_130] {strides = array<i32>} : memref<512x64xf32, #tpu.memory_space<vmem>>, vector<16xf32>,
      %mul3A_132 = arith.mulf %get3A_128, %get3A_131 : vector<16xf32>
      %add3A_133 = arith.addf %add3A_125, %mul3A_132 : vector<16xf32>
      %swap3A_134 = arith.constant 2 : i32
      %swap3A_135 = arith.index_cast %swap3A_134 : i32 to index
      %swap3A_136 = arith.constant 0 : index
      %swap3A_137 = tpu.vector_load %arg15[%swap3A_135, %swap3A_136] {strides = array<i32>} : memref<16x16xf32, #tpu.memory_space<vmem>>, vector<16xf32>,
      tpu.vector_store %arg15[%swap3A_135, %swap3A_136], %add3A_133 {strides = array<i32>} : memref<16x16xf32, #tpu.memory_space<vmem>>, vector<16xf32>,
      %add3A_138 = arith.constant 3 : i32
      %add3A_139 = arith.addi %mul3A_28, %add3A_138 : i32
      %get3A_140 = arith.index_cast %add3A_139 : i32 to index
      %get3A_141 = arith.constant 0 : index
      %get3A_142 = tpu.vector_load %arg11[%get3A_140, %get3A_141] {strides = array<i32>} : memref<512x64xf32, #tpu.memory_space<vmem>>, vector<16xf32>,
      %get3A_143 = arith.index_cast %add3A_139 : i32 to index
      %get3A_144 = arith.constant 0 : index
      %get3A_145 = tpu.vector_load %arg12[%get3A_143, %get3A_144] {strides = array<i32>} : memref<512x64xf32, #tpu.memory_space<vmem>>, vector<16xf32>,
      %mul3A_146 = arith.mulf %get3A_142, %get3A_145 : vector<16xf32>
      %get3A_147 = arith.index_cast %add3A_139 : i32 to index
      %get3A_148 = arith.constant 16 : index
      %get3A_149 = tpu.vector_load %arg11[%get3A_147, %get3A_148] {strides = array<i32>} : memref<512x64xf32, #tpu.memory_space<vmem>>, vector<16xf32>,
      %get3A_150 = arith.index_cast %add3A_139 : i32 to index
      %get3A_151 = arith.constant 16 : index
      %get3A_152 = tpu.vector_load %arg12[%get3A_150, %get3A_151] {strides = array<i32>} : memref<512x64xf32, #tpu.memory_space<vmem>>, vector<16xf32>,
      %mul3A_153 = arith.mulf %get3A_149, %get3A_152 : vector<16xf32>
      %add3A_154 = arith.addf %mul3A_146, %mul3A_153 : vector<16xf32>
      %get3A_155 = arith.index_cast %add3A_139 : i32 to index
      %get3A_156 = arith.constant 32 : index
      %get3A_157 = tpu.vector_load %arg11[%get3A_155, %get3A_156] {strides = array<i32>} : memref<512x64xf32, #tpu.memory_space<vmem>>, vector<16xf32>,
      %get3A_158 = arith.index_cast %add3A_139 : i32 to index
      %get3A_159 = arith.constant 32 : index
      %get3A_160 = tpu.vector_load %arg12[%get3A_158, %get3A_159] {strides = array<i32>} : memref<512x64xf32, #tpu.memory_space<vmem>>, vector<16xf32>,
      %mul3A_161 = arith.mulf %get3A_157, %get3A_160 : vector<16xf32>
      %add3A_162 = arith.addf %add3A_154, %mul3A_161 : vector<16xf32>
      %get3A_163 = arith.index_cast %add3A_139 : i32 to index
      %get3A_164 = arith.constant 48 : index
      %get3A_165 = tpu.vector_load %arg11[%get3A_163, %get3A_164] {strides = array<i32>} : memref<512x64xf32, #tpu.memory_space<vmem>>, vector<16xf32>,
      %get3A_166 = arith.index_cast %add3A_139 : i32 to index
      %get3A_167 = arith.constant 48 : index
      %get3A_168 = tpu.vector_load %arg12[%get3A_166, %get3A_167] {strides = array<i32>} : memref<512x64xf32, #tpu.memory_space<vmem>>, vector<16xf32>,
      %mul3A_169 = arith.mulf %get3A_165, %get3A_168 : vector<16xf32>
      %add3A_170 = arith.addf %add3A_162, %mul3A_169 : vector<16xf32>
      %swap3A_171 = arith.constant 3 : i32
      %swap3A_172 = arith.index_cast %swap3A_171 : i32 to index
      %swap3A_173 = arith.constant 0 : index
      %swap3A_174 = tpu.vector_load %arg15[%swap3A_172, %swap3A_173] {strides = array<i32>} : memref<16x16xf32, #tpu.memory_space<vmem>>, vector<16xf32>,
      tpu.vector_store %arg15[%swap3A_172, %swap3A_173], %add3A_170 {strides = array<i32>} : memref<16x16xf32, #tpu.memory_space<vmem>>, vector<16xf32>,
      %add3A_175 = arith.constant 4 : i32
      %add3A_176 = arith.addi %mul3A_28, %add3A_175 : i32
      %get3A_177 = arith.index_cast %add3A_176 : i32 to index
      %get3A_178 = arith.constant 0 : index
      %get3A_179 = tpu.vector_load %arg11[%get3A_177, %get3A_178] {strides = array<i32>} : memref<512x64xf32, #tpu.memory_space<vmem>>, vector<16xf32>,
      %get3A_180 = arith.index_cast %add3A_176 : i32 to index
      %get3A_181 = arith.constant 0 : index
      %get3A_182 = tpu.vector_load %arg12[%get3A_180, %get3A_181] {strides = array<i32>} : memref<512x64xf32, #tpu.memory_space<vmem>>, vector<16xf32>,
      %mul3A_183 = arith.mulf %get3A_179, %get3A_182 : vector<16xf32>
      %get3A_184 = arith.index_cast %add3A_176 : i32 to index
      %get3A_185 = arith.constant 16 : index
      %get3A_186 = tpu.vector_load %arg11[%get3A_184, %get3A_185] {strides = array<i32>} : memref<512x64xf32, #tpu.memory_space<vmem>>, vector<16xf32>,
      %get3A_187 = arith.index_cast %add3A_176 : i32 to index
      %get3A_188 = arith.constant 16 : index
      %get3A_189 = tpu.vector_load %arg12[%get3A_187, %get3A_188] {strides = array<i32>} : memref<512x64xf32, #tpu.memory_space<vmem>>, vector<16xf32>,
      %mul3A_190 = arith.mulf %get3A_186, %get3A_189 : vector<16xf32>
      %add3A_191 = arith.addf %mul3A_183, %mul3A_190 : vector<16xf32>
      %get3A_192 = arith.index_cast %add3A_176 : i32 to index
      %get3A_193 = arith.constant 32 : index
      %get3A_194 = tpu.vector_load %arg11[%get3A_192, %get3A_193] {strides = array<i32>} : memref<512x64xf32, #tpu.memory_space<vmem>>, vector<16xf32>,
      %get3A_195 = arith.index_cast %add3A_176 : i32 to index
      %get3A_196 = arith.constant 32 : index
      %get3A_197 = tpu.vector_load %arg12[%get3A_195, %get3A_196] {strides = array<i32>} : memref<512x64xf32, #tpu.memory_space<vmem>>, vector<16xf32>,
      %mul3A_198 = arith.mulf %get3A_194, %get3A_197 : vector<16xf32>
      %add3A_199 = arith.addf %add3A_191, %mul3A_198 : vector<16xf32>
      %get3A_200 = arith.index_cast %add3A_176 : i32 to index
      %get3A_201 = arith.constant 48 : index
      %get3A_202 = tpu.vector_load %arg11[%get3A_200, %get3A_201] {strides = array<i32>} : memref<512x64xf32, #tpu.memory_space<vmem>>, vector<16xf32>,
      %get3A_203 = arith.index_cast %add3A_176 : i32 to index
      %get3A_204 = arith.constant 48 : index
      %get3A_205 = tpu.vector_load %arg12[%get3A_203, %get3A_204] {strides = array<i32>} : memref<512x64xf32, #tpu.memory_space<vmem>>, vector<16xf32>,
      %mul3A_206 = arith.mulf %get3A_202, %get3A_205 : vector<16xf32>
      %add3A_207 = arith.addf %add3A_199, %mul3A_206 : vector<16xf32>
      %swap3A_208 = arith.constant 4 : i32
      %swap3A_209 = arith.index_cast %swap3A_208 : i32 to index
      %swap3A_210 = arith.constant 0 : index
      %swap3A_211 = tpu.vector_load %arg15[%swap3A_209, %swap3A_210] {strides = array<i32>} : memref<16x16xf32, #tpu.memory_space<vmem>>, vector<16xf32>,
      tpu.vector_store %arg15[%swap3A_209, %swap3A_210], %add3A_207 {strides = array<i32>} : memref<16x16xf32, #tpu.memory_space<vmem>>, vector<16xf32>,
      %add3A_212 = arith.constant 5 : i32
      %add3A_213 = arith.addi %mul3A_28, %add3A_212 : i32
      %get3A_214 = arith.index_cast %add3A_213 : i32 to index
      %get3A_215 = arith.constant 0 : index
      %get3A_216 = tpu.vector_load %arg11[%get3A_214, %get3A_215] {strides = array<i32>} : memref<512x64xf32, #tpu.memory_space<vmem>>, vector<16xf32>,
      %get3A_217 = arith.index_cast %add3A_213 : i32 to index
      %get3A_218 = arith.constant 0 : index
      %get3A_219 = tpu.vector_load %arg12[%get3A_217, %get3A_218] {strides = array<i32>} : memref<512x64xf32, #tpu.memory_space<vmem>>, vector<16xf32>,
      %mul3A_220 = arith.mulf %get3A_216, %get3A_219 : vector<16xf32>
      %get3A_221 = arith.index_cast %add3A_213 : i32 to index
      %get3A_222 = arith.constant 16 : index
      %get3A_223 = tpu.vector_load %arg11[%get3A_221, %get3A_222] {strides = array<i32>} : memref<512x64xf32, #tpu.memory_space<vmem>>, vector<16xf32>,
      %get3A_224 = arith.index_cast %add3A_213 : i32 to index
      %get3A_225 = arith.constant 16 : index
      %get3A_226 = tpu.vector_load %arg12[%get3A_224, %get3A_225] {strides = array<i32>} : memref<512x64xf32, #tpu.memory_space<vmem>>, vector<16xf32>,
      %mul3A_227 = arith.mulf %get3A_223, %get3A_226 : vector<16xf32>
      %add3A_228 = arith.addf %mul3A_220, %mul3A_227 : vector<16xf32>
      %get3A_229 = arith.index_cast %add3A_213 : i32 to index
      %get3A_230 = arith.constant 32 : index
      %get3A_231 = tpu.vector_load %arg11[%get3A_229, %get3A_230] {strides = array<i32>} : memref<512x64xf32, #tpu.memory_space<vmem>>, vector<16xf32>,
      %get3A_232 = arith.index_cast %add3A_213 : i32 to index
      %get3A_233 = arith.constant 32 : index
      %get3A_234 = tpu.vector_load %arg12[%get3A_232, %get3A_233] {strides = array<i32>} : memref<512x64xf32, #tpu.memory_space<vmem>>, vector<16xf32>,
      %mul3A_235 = arith.mulf %get3A_231, %get3A_234 : vector<16xf32>
      %add3A_236 = arith.addf %add3A_228, %mul3A_235 : vector<16xf32>
      %get3A_237 = arith.index_cast %add3A_213 : i32 to index
      %get3A_238 = arith.constant 48 : index
      %get3A_239 = tpu.vector_load %arg11[%get3A_237, %get3A_238] {strides = array<i32>} : memref<512x64xf32, #tpu.memory_space<vmem>>, vector<16xf32>,
      %get3A_240 = arith.index_cast %add3A_213 : i32 to index
      %get3A_241 = arith.constant 48 : index
      %get3A_242 = tpu.vector_load %arg12[%get3A_240, %get3A_241] {strides = array<i32>} : memref<512x64xf32, #tpu.memory_space<vmem>>, vector<16xf32>,
      %mul3A_243 = arith.mulf %get3A_239, %get3A_242 : vector<16xf32>
      %add3A_244 = arith.addf %add3A_236, %mul3A_243 : vector<16xf32>
      %swap3A_245 = arith.constant 5 : i32
      %swap3A_246 = arith.index_cast %swap3A_245 : i32 to index
      %swap3A_247 = arith.constant 0 : index
      %swap3A_248 = tpu.vector_load %arg15[%swap3A_246, %swap3A_247] {strides = array<i32>} : memref<16x16xf32, #tpu.memory_space<vmem>>, vector<16xf32>,
      tpu.vector_store %arg15[%swap3A_246, %swap3A_247], %add3A_244 {strides = array<i32>} : memref<16x16xf32, #tpu.memory_space<vmem>>, vector<16xf32>,
      %add3A_249 = arith.constant 6 : i32
      %add3A_250 = arith.addi %mul3A_28, %add3A_249 : i32
      %get3A_251 = arith.index_cast %add3A_250 : i32 to index
      %get3A_252 = arith.constant 0 : index
      %get3A_253 = tpu.vector_load %arg11[%get3A_251, %get3A_252] {strides = array<i32>} : memref<512x64xf32, #tpu.memory_space<vmem>>, vector<16xf32>,
      %get3A_254 = arith.index_cast %add3A_250 : i32 to index
      %get3A_255 = arith.constant 0 : index
      %get3A_256 = tpu.vector_load %arg12[%get3A_254, %get3A_255] {strides = array<i32>} : memref<512x64xf32, #tpu.memory_space<vmem>>, vector<16xf32>,
      %mul3A_257 = arith.mulf %get3A_253, %get3A_256 : vector<16xf32>
      %get3A_258 = arith.index_cast %add3A_250 : i32 to index
      %get3A_259 = arith.constant 16 : index
      %get3A_260 = tpu.vector_load %arg11[%get3A_258, %get3A_259] {strides = array<i32>} : memref<512x64xf32, #tpu.memory_space<vmem>>, vector<16xf32>,
      %get3A_261 = arith.index_cast %add3A_250 : i32 to index
      %get3A_262 = arith.constant 16 : index
      %get3A_263 = tpu.vector_load %arg12[%get3A_261, %get3A_262] {strides = array<i32>} : memref<512x64xf32, #tpu.memory_space<vmem>>, vector<16xf32>,
      %mul3A_264 = arith.mulf %get3A_260, %get3A_263 : vector<16xf32>
      %add3A_265 = arith.addf %mul3A_257, %mul3A_264 : vector<16xf32>
      %get3A_266 = arith.index_cast %add3A_250 : i32 to index
      %get3A_267 = arith.constant 32 : index
      %get3A_268 = tpu.vector_load %arg11[%get3A_266, %get3A_267] {strides = array<i32>} : memref<512x64xf32, #tpu.memory_space<vmem>>, vector<16xf32>,
      %get3A_269 = arith.index_cast %add3A_250 : i32 to index
      %get3A_270 = arith.constant 32 : index
      %get3A_271 = tpu.vector_load %arg12[%get3A_269, %get3A_270] {strides = array<i32>} : memref<512x64xf32, #tpu.memory_space<vmem>>, vector<16xf32>,
      %mul3A_272 = arith.mulf %get3A_268, %get3A_271 : vector<16xf32>
      %add3A_273 = arith.addf %add3A_265, %mul3A_272 : vector<16xf32>
      %get3A_274 = arith.index_cast %add3A_250 : i32 to index
      %get3A_275 = arith.constant 48 : index
      %get3A_276 = tpu.vector_load %arg11[%get3A_274, %get3A_275] {strides = array<i32>} : memref<512x64xf32, #tpu.memory_space<vmem>>, vector<16xf32>,
      %get3A_277 = arith.index_cast %add3A_250 : i32 to index
      %get3A_278 = arith.constant 48 : index
      %get3A_279 = tpu.vector_load %arg12[%get3A_277, %get3A_278] {strides = array<i32>} : memref<512x64xf32, #tpu.memory_space<vmem>>, vector<16xf32>,
      %mul3A_280 = arith.mulf %get3A_276, %get3A_279 : vector<16xf32>
      %add3A_281 = arith.addf %add3A_273, %mul3A_280 : vector<16xf32>
      %swap3A_282 = arith.constant 6 : i32
      %swap3A_283 = arith.index_cast %swap3A_282 : i32 to index
      %swap3A_284 = arith.constant 0 : index
      %swap3A_285 = tpu.vector_load %arg15[%swap3A_283, %swap3A_284] {strides = array<i32>} : memref<16x16xf32, #tpu.memory_space<vmem>>, vector<16xf32>,
      tpu.vector_store %arg15[%swap3A_283, %swap3A_284], %add3A_281 {strides = array<i32>} : memref<16x16xf32, #tpu.memory_space<vmem>>, vector<16xf32>,
      %add3A_286 = arith.constant 7 : i32
      %add3A_287 = arith.addi %mul3A_28, %add3A_286 : i32
      %get3A_288 = arith.index_cast %add3A_287 : i32 to index
      %get3A_289 = arith.constant 0 : index
      %get3A_290 = tpu.vector_load %arg11[%get3A_288, %get3A_289] {strides = array<i32>} : memref<512x64xf32, #tpu.memory_space<vmem>>, vector<16xf32>,
      %get3A_291 = arith.index_cast %add3A_287 : i32 to index
      %get3A_292 = arith.constant 0 : index
      %get3A_293 = tpu.vector_load %arg12[%get3A_291, %get3A_292] {strides = array<i32>} : memref<512x64xf32, #tpu.memory_space<vmem>>, vector<16xf32>,
      %mul3A_294 = arith.mulf %get3A_290, %get3A_293 : vector<16xf32>
      %get3A_295 = arith.index_cast %add3A_287 : i32 to index
      %get3A_296 = arith.constant 16 : index
      %get3A_297 = tpu.vector_load %arg11[%get3A_295, %get3A_296] {strides = array<i32>} : memref<512x64xf32, #tpu.memory_space<vmem>>, vector<16xf32>,
      %get3A_298 = arith.index_cast %add3A_287 : i32 to index
      %get3A_299 = arith.constant 16 : index
      %get3A_300 = tpu.vector_load %arg12[%get3A_298, %get3A_299] {strides = array<i32>} : memref<512x64xf32, #tpu.memory_space<vmem>>, vector<16xf32>,
      %mul3A_301 = arith.mulf %get3A_297, %get3A_300 : vector<16xf32>
      %add3A_302 = arith.addf %mul3A_294, %mul3A_301 : vector<16xf32>
      %get3A_303 = arith.index_cast %add3A_287 : i32 to index
      %get3A_304 = arith.constant 32 : index
      %get3A_305 = tpu.vector_load %arg11[%get3A_303, %get3A_304] {strides = array<i32>} : memref<512x64xf32, #tpu.memory_space<vmem>>, vector<16xf32>,
      %get3A_306 = arith.index_cast %add3A_287 : i32 to index
      %get3A_307 = arith.constant 32 : index
      %get3A_308 = tpu.vector_load %arg12[%get3A_306, %get3A_307] {strides = array<i32>} : memref<512x64xf32, #tpu.memory_space<vmem>>, vector<16xf32>,
      %mul3A_309 = arith.mulf %get3A_305, %get3A_308 : vector<16xf32>
      %add3A_310 = arith.addf %add3A_302, %mul3A_309 : vector<16xf32>
      %get3A_311 = arith.index_cast %add3A_287 : i32 to index
      %get3A_312 = arith.constant 48 : index
      %get3A_313 = tpu.vector_load %arg11[%get3A_311, %get3A_312] {strides = array<i32>} : memref<512x64xf32, #tpu.memory_space<vmem>>, vector<16xf32>,
      %get3A_314 = arith.index_cast %add3A_287 : i32 to index
      %get3A_315 = arith.constant 48 : index
      %get3A_316 = tpu.vector_load %arg12[%get3A_314, %get3A_315] {strides = array<i32>} : memref<512x64xf32, #tpu.memory_space<vmem>>, vector<16xf32>,
      %mul3A_317 = arith.mulf %get3A_313, %get3A_316 : vector<16xf32>
      %add3A_318 = arith.addf %add3A_310, %mul3A_317 : vector<16xf32>
      %swap3A_319 = arith.constant 7 : i32
      %swap3A_320 = arith.index_cast %swap3A_319 : i32 to index
      %swap3A_321 = arith.constant 0 : index
      %swap3A_322 = tpu.vector_load %arg15[%swap3A_320, %swap3A_321] {strides = array<i32>} : memref<16x16xf32, #tpu.memory_space<vmem>>, vector<16xf32>,
      tpu.vector_store %arg15[%swap3A_320, %swap3A_321], %add3A_318 {strides = array<i32>} : memref<16x16xf32, #tpu.memory_space<vmem>>, vector<16xf32>,
      %add3A_323 = arith.constant 8 : i32
      %add3A_324 = arith.addi %mul3A_28, %add3A_323 : i32
      %get3A_325 = arith.index_cast %add3A_324 : i32 to index
      %get3A_326 = arith.constant 0 : index
      %get3A_327 = tpu.vector_load %arg11[%get3A_325, %get3A_326] {strides = array<i32>} : memref<512x64xf32, #tpu.memory_space<vmem>>, vector<16xf32>,
      %get3A_328 = arith.index_cast %add3A_324 : i32 to index
      %get3A_329 = arith.constant 0 : index
      %get3A_330 = tpu.vector_load %arg12[%get3A_328, %get3A_329] {strides = array<i32>} : memref<512x64xf32, #tpu.memory_space<vmem>>, vector<16xf32>,
      %mul3A_331 = arith.mulf %get3A_327, %get3A_330 : vector<16xf32>
      %get3A_332 = arith.index_cast %add3A_324 : i32 to index
      %get3A_333 = arith.constant 16 : index
      %get3A_334 = tpu.vector_load %arg11[%get3A_332, %get3A_333] {strides = array<i32>} : memref<512x64xf32, #tpu.memory_space<vmem>>, vector<16xf32>,
      %get3A_335 = arith.index_cast %add3A_324 : i32 to index
      %get3A_336 = arith.constant 16 : index
      %get3A_337 = tpu.vector_load %arg12[%get3A_335, %get3A_336] {strides = array<i32>} : memref<512x64xf32, #tpu.memory_space<vmem>>, vector<16xf32>,
      %mul3A_338 = arith.mulf %get3A_334, %get3A_337 : vector<16xf32>
      %add3A_339 = arith.addf %mul3A_331, %mul3A_338 : vector<16xf32>
      %get3A_340 = arith.index_cast %add3A_324 : i32 to index
      %get3A_341 = arith.constant 32 : index
      %get3A_342 = tpu.vector_load %arg11[%get3A_340, %get3A_341] {strides = array<i32>} : memref<512x64xf32, #tpu.memory_space<vmem>>, vector<16xf32>,
      %get3A_343 = arith.index_cast %add3A_324 : i32 to index
      %get3A_344 = arith.constant 32 : index
      %get3A_345 = tpu.vector_load %arg12[%get3A_343, %get3A_344] {strides = array<i32>} : memref<512x64xf32, #tpu.memory_space<vmem>>, vector<16xf32>,
      %mul3A_346 = arith.mulf %get3A_342, %get3A_345 : vector<16xf32>
      %add3A_347 = arith.addf %add3A_339, %mul3A_346 : vector<16xf32>
      %get3A_348 = arith.index_cast %add3A_324 : i32 to index
      %get3A_349 = arith.constant 48 : index
      %get3A_350 = tpu.vector_load %arg11[%get3A_348, %get3A_349] {strides = array<i32>} : memref<512x64xf32, #tpu.memory_space<vmem>>, vector<16xf32>,
      %get3A_351 = arith.index_cast %add3A_324 : i32 to index
      %get3A_352 = arith.constant 48 : index
      %get3A_353 = tpu.vector_load %arg12[%get3A_351, %get3A_352] {strides = array<i32>} : memref<512x64xf32, #tpu.memory_space<vmem>>, vector<16xf32>,
      %mul3A_354 = arith.mulf %get3A_350, %get3A_353 : vector<16xf32>
      %add3A_355 = arith.addf %add3A_347, %mul3A_354 : vector<16xf32>
      %swap3A_356 = arith.constant 8 : i32
      %swap3A_357 = arith.index_cast %swap3A_356 : i32 to index
      %swap3A_358 = arith.constant 0 : index
      %swap3A_359 = tpu.vector_load %arg15[%swap3A_357, %swap3A_358] {strides = array<i32>} : memref<16x16xf32, #tpu.memory_space<vmem>>, vector<16xf32>,
      tpu.vector_store %arg15[%swap3A_357, %swap3A_358], %add3A_355 {strides = array<i32>} : memref<16x16xf32, #tpu.memory_space<vmem>>, vector<16xf32>,
      %add3A_360 = arith.constant 9 : i32
      %add3A_361 = arith.addi %mul3A_28, %add3A_360 : i32
      %get3A_362 = arith.index_cast %add3A_361 : i32 to index
      %get3A_363 = arith.constant 0 : index
      %get3A_364 = tpu.vector_load %arg11[%get3A_362, %get3A_363] {strides = array<i32>} : memref<512x64xf32, #tpu.memory_space<vmem>>, vector<16xf32>,
      %get3A_365 = arith.index_cast %add3A_361 : i32 to index
      %get3A_366 = arith.constant 0 : index
      %get3A_367 = tpu.vector_load %arg12[%get3A_365, %get3A_366] {strides = array<i32>} : memref<512x64xf32, #tpu.memory_space<vmem>>, vector<16xf32>,
      %mul3A_368 = arith.mulf %get3A_364, %get3A_367 : vector<16xf32>
      %get3A_369 = arith.index_cast %add3A_361 : i32 to index
      %get3A_370 = arith.constant 16 : index
      %get3A_371 = tpu.vector_load %arg11[%get3A_369, %get3A_370] {strides = array<i32>} : memref<512x64xf32, #tpu.memory_space<vmem>>, vector<16xf32>,
      %get3A_372 = arith.index_cast %add3A_361 : i32 to index
      %get3A_373 = arith.constant 16 : index
      %get3A_374 = tpu.vector_load %arg12[%get3A_372, %get3A_373] {strides = array<i32>} : memref<512x64xf32, #tpu.memory_space<vmem>>, vector<16xf32>,
      %mul3A_375 = arith.mulf %get3A_371, %get3A_374 : vector<16xf32>
      %add3A_376 = arith.addf %mul3A_368, %mul3A_375 : vector<16xf32>
      %get3A_377 = arith.index_cast %add3A_361 : i32 to index
      %get3A_378 = arith.constant 32 : index
      %get3A_379 = tpu.vector_load %arg11[%get3A_377, %get3A_378] {strides = array<i32>} : memref<512x64xf32, #tpu.memory_space<vmem>>, vector<16xf32>,
      %get3A_380 = arith.index_cast %add3A_361 : i32 to index
      %get3A_381 = arith.constant 32 : index
      %get3A_382 = tpu.vector_load %arg12[%get3A_380, %get3A_381] {strides = array<i32>} : memref<512x64xf32, #tpu.memory_space<vmem>>, vector<16xf32>,
      %mul3A_383 = arith.mulf %get3A_379, %get3A_382 : vector<16xf32>
      %add3A_384 = arith.addf %add3A_376, %mul3A_383 : vector<16xf32>
      %get3A_385 = arith.index_cast %add3A_361 : i32 to index
      %get3A_386 = arith.constant 48 : index
      %get3A_387 = tpu.vector_load %arg11[%get3A_385, %get3A_386] {strides = array<i32>} : memref<512x64xf32, #tpu.memory_space<vmem>>, vector<16xf32>,
      %get3A_388 = arith.index_cast %add3A_361 : i32 to index
      %get3A_389 = arith.constant 48 : index
      %get3A_390 = tpu.vector_load %arg12[%get3A_388, %get3A_389] {strides = array<i32>} : memref<512x64xf32, #tpu.memory_space<vmem>>, vector<16xf32>,
      %mul3A_391 = arith.mulf %get3A_387, %get3A_390 : vector<16xf32>
      %add3A_392 = arith.addf %add3A_384, %mul3A_391 : vector<16xf32>
      %swap3A_393 = arith.constant 9 : i32
      %swap3A_394 = arith.index_cast %swap3A_393 : i32 to index
      %swap3A_395 = arith.constant 0 : index
      %swap3A_396 = tpu.vector_load %arg15[%swap3A_394, %swap3A_395] {strides = array<i32>} : memref<16x16xf32, #tpu.memory_space<vmem>>, vector<16xf32>,
      tpu.vector_store %arg15[%swap3A_394, %swap3A_395], %add3A_392 {strides = array<i32>} : memref<16x16xf32, #tpu.memory_space<vmem>>, vector<16xf32>,
      %add3A_397 = arith.constant 10 : i32
      %add3A_398 = arith.addi %mul3A_28, %add3A_397 : i32
      %get3A_399 = arith.index_cast %add3A_398 : i32 to index
      %get3A_400 = arith.constant 0 : index
      %get3A_401 = tpu.vector_load %arg11[%get3A_399, %get3A_400] {strides = array<i32>} : memref<512x64xf32, #tpu.memory_space<vmem>>, vector<16xf32>,
      %get3A_402 = arith.index_cast %add3A_398 : i32 to index
      %get3A_403 = arith.constant 0 : index
      %get3A_404 = tpu.vector_load %arg12[%get3A_402, %get3A_403] {strides = array<i32>} : memref<512x64xf32, #tpu.memory_space<vmem>>, vector<16xf32>,
      %mul3A_405 = arith.mulf %get3A_401, %get3A_404 : vector<16xf32>
      %get3A_406 = arith.index_cast %add3A_398 : i32 to index
      %get3A_407 = arith.constant 16 : index
      %get3A_408 = tpu.vector_load %arg11[%get3A_406, %get3A_407] {strides = array<i32>} : memref<512x64xf32, #tpu.memory_space<vmem>>, vector<16xf32>,
      %get3A_409 = arith.index_cast %add3A_398 : i32 to index
      %get3A_410 = arith.constant 16 : index
      %get3A_411 = tpu.vector_load %arg12[%get3A_409, %get3A_410] {strides = array<i32>} : memref<512x64xf32, #tpu.memory_space<vmem>>, vector<16xf32>,
      %mul3A_412 = arith.mulf %get3A_408, %get3A_411 : vector<16xf32>
      %add3A_413 = arith.addf %mul3A_405, %mul3A_412 : vector<16xf32>
      %get3A_414 = arith.index_cast %add3A_398 : i32 to index
      %get3A_415 = arith.constant 32 : index
      %get3A_416 = tpu.vector_load %arg11[%get3A_414, %get3A_415] {strides = array<i32>} : memref<512x64xf32, #tpu.memory_space<vmem>>, vector<16xf32>,
      %get3A_417 = arith.index_cast %add3A_398 : i32 to index
      %get3A_418 = arith.constant 32 : index
      %get3A_419 = tpu.vector_load %arg12[%get3A_417, %get3A_418] {strides = array<i32>} : memref<512x64xf32, #tpu.memory_space<vmem>>, vector<16xf32>,
      %mul3A_420 = arith.mulf %get3A_416, %get3A_419 : vector<16xf32>
      %add3A_421 = arith.addf %add3A_413, %mul3A_420 : vector<16xf32>
      %get3A_422 = arith.index_cast %add3A_398 : i32 to index
      %get3A_423 = arith.constant 48 : index
      %get3A_424 = tpu.vector_load %arg11[%get3A_422, %get3A_423] {strides = array<i32>} : memref<512x64xf32, #tpu.memory_space<vmem>>, vector<16xf32>,
      %get3A_425 = arith.index_cast %add3A_398 : i32 to index
      %get3A_426 = arith.constant 48 : index
      %get3A_427 = tpu.vector_load %arg12[%get3A_425, %get3A_426] {strides = array<i32>} : memref<512x64xf32, #tpu.memory_space<vmem>>, vector<16xf32>,
      %mul3A_428 = arith.mulf %get3A_424, %get3A_427 : vector<16xf32>
      %add3A_429 = arith.addf %add3A_421, %mul3A_428 : vector<16xf32>
      %swap3A_430 = arith.constant 10 : i32
      %swap3A_431 = arith.index_cast %swap3A_430 : i32 to index
      %swap3A_432 = arith.constant 0 : index
      %swap3A_433 = tpu.vector_load %arg15[%swap3A_431, %swap3A_432] {strides = array<i32>} : memref<16x16xf32, #tpu.memory_space<vmem>>, vector<16xf32>,
      tpu.vector_store %arg15[%swap3A_431, %swap3A_432], %add3A_429 {strides = array<i32>} : memref<16x16xf32, #tpu.memory_space<vmem>>, vector<16xf32>,
      %add3A_434 = arith.constant 11 : i32
      %add3A_435 = arith.addi %mul3A_28, %add3A_434 : i32
      %get3A_436 = arith.index_cast %add3A_435 : i32 to index
      %get3A_437 = arith.constant 0 : index
      %get3A_438 = tpu.vector_load %arg11[%get3A_436, %get3A_437] {strides = array<i32>} : memref<512x64xf32, #tpu.memory_space<vmem>>, vector<16xf32>,
      %get3A_439 = arith.index_cast %add3A_435 : i32 to index
      %get3A_440 = arith.constant 0 : index
      %get3A_441 = tpu.vector_load %arg12[%get3A_439, %get3A_440] {strides = array<i32>} : memref<512x64xf32, #tpu.memory_space<vmem>>, vector<16xf32>,
      %mul3A_442 = arith.mulf %get3A_438, %get3A_441 : vector<16xf32>
      %get3A_443 = arith.index_cast %add3A_435 : i32 to index
      %get3A_444 = arith.constant 16 : index
      %get3A_445 = tpu.vector_load %arg11[%get3A_443, %get3A_444] {strides = array<i32>} : memref<512x64xf32, #tpu.memory_space<vmem>>, vector<16xf32>,
      %get3A_446 = arith.index_cast %add3A_435 : i32 to index
      %get3A_447 = arith.constant 16 : index
      %get3A_448 = tpu.vector_load %arg12[%get3A_446, %get3A_447] {strides = array<i32>} : memref<512x64xf32, #tpu.memory_space<vmem>>, vector<16xf32>,
      %mul3A_449 = arith.mulf %get3A_445, %get3A_448 : vector<16xf32>
      %add3A_450 = arith.addf %mul3A_442, %mul3A_449 : vector<16xf32>
      %get3A_451 = arith.index_cast %add3A_435 : i32 to index
      %get3A_452 = arith.constant 32 : index
      %get3A_453 = tpu.vector_load %arg11[%get3A_451, %get3A_452] {strides = array<i32>} : memref<512x64xf32, #tpu.memory_space<vmem>>, vector<16xf32>,
      %get3A_454 = arith.index_cast %add3A_435 : i32 to index
      %get3A_455 = arith.constant 32 : index
      %get3A_456 = tpu.vector_load %arg12[%get3A_454, %get3A_455] {strides = array<i32>} : memref<512x64xf32, #tpu.memory_space<vmem>>, vector<16xf32>,
      %mul3A_457 = arith.mulf %get3A_453, %get3A_456 : vector<16xf32>
      %add3A_458 = arith.addf %add3A_450, %mul3A_457 : vector<16xf32>
      %get3A_459 = arith.index_cast %add3A_435 : i32 to index
      %get3A_460 = arith.constant 48 : index
      %get3A_461 = tpu.vector_load %arg11[%get3A_459, %get3A_460] {strides = array<i32>} : memref<512x64xf32, #tpu.memory_space<vmem>>, vector<16xf32>,
      %get3A_462 = arith.index_cast %add3A_435 : i32 to index
      %get3A_463 = arith.constant 48 : index
      %get3A_464 = tpu.vector_load %arg12[%get3A_462, %get3A_463] {strides = array<i32>} : memref<512x64xf32, #tpu.memory_space<vmem>>, vector<16xf32>,
      %mul3A_465 = arith.mulf %get3A_461, %get3A_464 : vector<16xf32>
      %add3A_466 = arith.addf %add3A_458, %mul3A_465 : vector<16xf32>
      %swap3A_467 = arith.constant 11 : i32
      %swap3A_468 = arith.index_cast %swap3A_467 : i32 to index
      %swap3A_469 = arith.constant 0 : index
      %swap3A_470 = tpu.vector_load %arg15[%swap3A_468, %swap3A_469] {strides = array<i32>} : memref<16x16xf32, #tpu.memory_space<vmem>>, vector<16xf32>,
      tpu.vector_store %arg15[%swap3A_468, %swap3A_469], %add3A_466 {strides = array<i32>} : memref<16x16xf32, #tpu.memory_space<vmem>>, vector<16xf32>,
      %add3A_471 = arith.constant 12 : i32
      %add3A_472 = arith.addi %mul3A_28, %add3A_471 : i32
      %get3A_473 = arith.index_cast %add3A_472 : i32 to index
      %get3A_474 = arith.constant 0 : index
      %get3A_475 = tpu.vector_load %arg11[%get3A_473, %get3A_474] {strides = array<i32>} : memref<512x64xf32, #tpu.memory_space<vmem>>, vector<16xf32>,
      %get3A_476 = arith.index_cast %add3A_472 : i32 to index
      %get3A_477 = arith.constant 0 : index
      %get3A_478 = tpu.vector_load %arg12[%get3A_476, %get3A_477] {strides = array<i32>} : memref<512x64xf32, #tpu.memory_space<vmem>>, vector<16xf32>,
      %mul3A_479 = arith.mulf %get3A_475, %get3A_478 : vector<16xf32>
      %get3A_480 = arith.index_cast %add3A_472 : i32 to index
      %get3A_481 = arith.constant 16 : index
      %get3A_482 = tpu.vector_load %arg11[%get3A_480, %get3A_481] {strides = array<i32>} : memref<512x64xf32, #tpu.memory_space<vmem>>, vector<16xf32>,
      %get3A_483 = arith.index_cast %add3A_472 : i32 to index
      %get3A_484 = arith.constant 16 : index
      %get3A_485 = tpu.vector_load %arg12[%get3A_483, %get3A_484] {strides = array<i32>} : memref<512x64xf32, #tpu.memory_space<vmem>>, vector<16xf32>,
      %mul3A_486 = arith.mulf %get3A_482, %get3A_485 : vector<16xf32>
      %add3A_487 = arith.addf %mul3A_479, %mul3A_486 : vector<16xf32>
      %get3A_488 = arith.index_cast %add3A_472 : i32 to index
      %get3A_489 = arith.constant 32 : index
      %get3A_490 = tpu.vector_load %arg11[%get3A_488, %get3A_489] {strides = array<i32>} : memref<512x64xf32, #tpu.memory_space<vmem>>, vector<16xf32>,
      %get3A_491 = arith.index_cast %add3A_472 : i32 to index
      %get3A_492 = arith.constant 32 : index
      %get3A_493 = tpu.vector_load %arg12[%get3A_491, %get3A_492] {strides = array<i32>} : memref<512x64xf32, #tpu.memory_space<vmem>>, vector<16xf32>,
      %mul3A_494 = arith.mulf %get3A_490, %get3A_493 : vector<16xf32>
      %add3A_495 = arith.addf %add3A_487, %mul3A_494 : vector<16xf32>
      %get3A_496 = arith.index_cast %add3A_472 : i32 to index
      %get3A_497 = arith.constant 48 : index
      %get3A_498 = tpu.vector_load %arg11[%get3A_496, %get3A_497] {strides = array<i32>} : memref<512x64xf32, #tpu.memory_space<vmem>>, vector<16xf32>,
      %get3A_499 = arith.index_cast %add3A_472 : i32 to index
      %get3A_500 = arith.constant 48 : index
      %get3A_501 = tpu.vector_load %arg12[%get3A_499, %get3A_500] {strides = array<i32>} : memref<512x64xf32, #tpu.memory_space<vmem>>, vector<16xf32>,
      %mul3A_502 = arith.mulf %get3A_498, %get3A_501 : vector<16xf32>
      %add3A_503 = arith.addf %add3A_495, %mul3A_502 : vector<16xf32>
      %swap3A_504 = arith.constant 12 : i32
      %swap3A_505 = arith.index_cast %swap3A_504 : i32 to index
      %swap3A_506 = arith.constant 0 : index
      %swap3A_507 = tpu.vector_load %arg15[%swap3A_505, %swap3A_506] {strides = array<i32>} : memref<16x16xf32, #tpu.memory_space<vmem>>, vector<16xf32>,
      tpu.vector_store %arg15[%swap3A_505, %swap3A_506], %add3A_503 {strides = array<i32>} : memref<16x16xf32, #tpu.memory_space<vmem>>, vector<16xf32>,
      %add3A_508 = arith.constant 13 : i32
      %add3A_509 = arith.addi %mul3A_28, %add3A_508 : i32
      %get3A_510 = arith.index_cast %add3A_509 : i32 to index
      %get3A_511 = arith.constant 0 : index
      %get3A_512 = tpu.vector_load %arg11[%get3A_510, %get3A_511] {strides = array<i32>} : memref<512x64xf32, #tpu.memory_space<vmem>>, vector<16xf32>,
      %get3A_513 = arith.index_cast %add3A_509 : i32 to index
      %get3A_514 = arith.constant 0 : index
      %get3A_515 = tpu.vector_load %arg12[%get3A_513, %get3A_514] {strides = array<i32>} : memref<512x64xf32, #tpu.memory_space<vmem>>, vector<16xf32>,
      %mul3A_516 = arith.mulf %get3A_512, %get3A_515 : vector<16xf32>
      %get3A_517 = arith.index_cast %add3A_509 : i32 to index
      %get3A_518 = arith.constant 16 : index
      %get3A_519 = tpu.vector_load %arg11[%get3A_517, %get3A_518] {strides = array<i32>} : memref<512x64xf32, #tpu.memory_space<vmem>>, vector<16xf32>,
      %get3A_520 = arith.index_cast %add3A_509 : i32 to index
      %get3A_521 = arith.constant 16 : index
      %get3A_522 = tpu.vector_load %arg12[%get3A_520, %get3A_521] {strides = array<i32>} : memref<512x64xf32, #tpu.memory_space<vmem>>, vector<16xf32>,
      %mul3A_523 = arith.mulf %get3A_519, %get3A_522 : vector<16xf32>
      %add3A_524 = arith.addf %mul3A_516, %mul3A_523 : vector<16xf32>
      %get3A_525 = arith.index_cast %add3A_509 : i32 to index
      %get3A_526 = arith.constant 32 : index
      %get3A_527 = tpu.vector_load %arg11[%get3A_525, %get3A_526] {strides = array<i32>} : memref<512x64xf32, #tpu.memory_space<vmem>>, vector<16xf32>,
      %get3A_528 = arith.index_cast %add3A_509 : i32 to index
      %get3A_529 = arith.constant 32 : index
      %get3A_530 = tpu.vector_load %arg12[%get3A_528, %get3A_529] {strides = array<i32>} : memref<512x64xf32, #tpu.memory_space<vmem>>, vector<16xf32>,
      %mul3A_531 = arith.mulf %get3A_527, %get3A_530 : vector<16xf32>
      %add3A_532 = arith.addf %add3A_524, %mul3A_531 : vector<16xf32>
      %get3A_533 = arith.index_cast %add3A_509 : i32 to index
      %get3A_534 = arith.constant 48 : index
      %get3A_535 = tpu.vector_load %arg11[%get3A_533, %get3A_534] {strides = array<i32>} : memref<512x64xf32, #tpu.memory_space<vmem>>, vector<16xf32>,
      %get3A_536 = arith.index_cast %add3A_509 : i32 to index
      %get3A_537 = arith.constant 48 : index
      %get3A_538 = tpu.vector_load %arg12[%get3A_536, %get3A_537] {strides = array<i32>} : memref<512x64xf32, #tpu.memory_space<vmem>>, vector<16xf32>,
      %mul3A_539 = arith.mulf %get3A_535, %get3A_538 : vector<16xf32>
      %add3A_540 = arith.addf %add3A_532, %mul3A_539 : vector<16xf32>
      %swap3A_541 = arith.constant 13 : i32
      %swap3A_542 = arith.index_cast %swap3A_541 : i32 to index
      %swap3A_543 = arith.constant 0 : index
      %swap3A_544 = tpu.vector_load %arg15[%swap3A_542, %swap3A_543] {strides = array<i32>} : memref<16x16xf32, #tpu.memory_space<vmem>>, vector<16xf32>,
      tpu.vector_store %arg15[%swap3A_542, %swap3A_543], %add3A_540 {strides = array<i32>} : memref<16x16xf32, #tpu.memory_space<vmem>>, vector<16xf32>,
      %add3A_545 = arith.constant 14 : i32
      %add3A_546 = arith.addi %mul3A_28, %add3A_545 : i32
      %get3A_547 = arith.index_cast %add3A_546 : i32 to index
      %get3A_548 = arith.constant 0 : index
      %get3A_549 = tpu.vector_load %arg11[%get3A_547, %get3A_548] {strides = array<i32>} : memref<512x64xf32, #tpu.memory_space<vmem>>, vector<16xf32>,
      %get3A_550 = arith.index_cast %add3A_546 : i32 to index
      %get3A_551 = arith.constant 0 : index
      %get3A_552 = tpu.vector_load %arg12[%get3A_550, %get3A_551] {strides = array<i32>} : memref<512x64xf32, #tpu.memory_space<vmem>>, vector<16xf32>,
      %mul3A_553 = arith.mulf %get3A_549, %get3A_552 : vector<16xf32>
      %get3A_554 = arith.index_cast %add3A_546 : i32 to index
      %get3A_555 = arith.constant 16 : index
      %get3A_556 = tpu.vector_load %arg11[%get3A_554, %get3A_555] {strides = array<i32>} : memref<512x64xf32, #tpu.memory_space<vmem>>, vector<16xf32>,
      %get3A_557 = arith.index_cast %add3A_546 : i32 to index
      %get3A_558 = arith.constant 16 : index
      %get3A_559 = tpu.vector_load %arg12[%get3A_557, %get3A_558] {strides = array<i32>} : memref<512x64xf32, #tpu.memory_space<vmem>>, vector<16xf32>,
      %mul3A_560 = arith.mulf %get3A_556, %get3A_559 : vector<16xf32>
      %add3A_561 = arith.addf %mul3A_553, %mul3A_560 : vector<16xf32>
      %get3A_562 = arith.index_cast %add3A_546 : i32 to index
      %get3A_563 = arith.constant 32 : index
      %get3A_564 = tpu.vector_load %arg11[%get3A_562, %get3A_563] {strides = array<i32>} : memref<512x64xf32, #tpu.memory_space<vmem>>, vector<16xf32>,
      %get3A_565 = arith.index_cast %add3A_546 : i32 to index
      %get3A_566 = arith.constant 32 : index
      %get3A_567 = tpu.vector_load %arg12[%get3A_565, %get3A_566] {strides = array<i32>} : memref<512x64xf32, #tpu.memory_space<vmem>>, vector<16xf32>,
      %mul3A_568 = arith.mulf %get3A_564, %get3A_567 : vector<16xf32>
      %add3A_569 = arith.addf %add3A_561, %mul3A_568 : vector<16xf32>
      %get3A_570 = arith.index_cast %add3A_546 : i32 to index
      %get3A_571 = arith.constant 48 : index
      %get3A_572 = tpu.vector_load %arg11[%get3A_570, %get3A_571] {strides = array<i32>} : memref<512x64xf32, #tpu.memory_space<vmem>>, vector<16xf32>,
      %get3A_573 = arith.index_cast %add3A_546 : i32 to index
      %get3A_574 = arith.constant 48 : index
      %get3A_575 = tpu.vector_load %arg12[%get3A_573, %get3A_574] {strides = array<i32>} : memref<512x64xf32, #tpu.memory_space<vmem>>, vector<16xf32>,
      %mul3A_576 = arith.mulf %get3A_572, %get3A_575 : vector<16xf32>
      %add3A_577 = arith.addf %add3A_569, %mul3A_576 : vector<16xf32>
      %swap3A_578 = arith.constant 14 : i32
      %swap3A_579 = arith.index_cast %swap3A_578 : i32 to index
      %swap3A_580 = arith.constant 0 : index
      %swap3A_581 = tpu.vector_load %arg15[%swap3A_579, %swap3A_580] {strides = array<i32>} : memref<16x16xf32, #tpu.memory_space<vmem>>, vector<16xf32>,
      tpu.vector_store %arg15[%swap3A_579, %swap3A_580], %add3A_577 {strides = array<i32>} : memref<16x16xf32, #tpu.memory_space<vmem>>, vector<16xf32>,
      %add3A_582 = arith.constant 15 : i32
      %add3A_583 = arith.addi %mul3A_28, %add3A_582 : i32
      %get3A_584 = arith.index_cast %add3A_583 : i32 to index
      %get3A_585 = arith.constant 0 : index
      %get3A_586 = tpu.vector_load %arg11[%get3A_584, %get3A_585] {strides = array<i32>} : memref<512x64xf32, #tpu.memory_space<vmem>>, vector<16xf32>,
      %get3A_587 = arith.index_cast %add3A_583 : i32 to index
      %get3A_588 = arith.constant 0 : index
      %get3A_589 = tpu.vector_load %arg12[%get3A_587, %get3A_588] {strides = array<i32>} : memref<512x64xf32, #tpu.memory_space<vmem>>, vector<16xf32>,
      %mul3A_590 = arith.mulf %get3A_586, %get3A_589 : vector<16xf32>
      %get3A_591 = arith.index_cast %add3A_583 : i32 to index
      %get3A_592 = arith.constant 16 : index
      %get3A_593 = tpu.vector_load %arg11[%get3A_591, %get3A_592] {strides = array<i32>} : memref<512x64xf32, #tpu.memory_space<vmem>>, vector<16xf32>,
      %get3A_594 = arith.index_cast %add3A_583 : i32 to index
      %get3A_595 = arith.constant 16 : index
      %get3A_596 = tpu.vector_load %arg12[%get3A_594, %get3A_595] {strides = array<i32>} : memref<512x64xf32, #tpu.memory_space<vmem>>, vector<16xf32>,
      %mul3A_597 = arith.mulf %get3A_593, %get3A_596 : vector<16xf32>
      %add3A_598 = arith.addf %mul3A_590, %mul3A_597 : vector<16xf32>
      %get3A_599 = arith.index_cast %add3A_583 : i32 to index
      %get3A_600 = arith.constant 32 : index
      %get3A_601 = tpu.vector_load %arg11[%get3A_599, %get3A_600] {strides = array<i32>} : memref<512x64xf32, #tpu.memory_space<vmem>>, vector<16xf32>,
      %get3A_602 = arith.index_cast %add3A_583 : i32 to index
      %get3A_603 = arith.constant 32 : index
      %get3A_604 = tpu.vector_load %arg12[%get3A_602, %get3A_603] {strides = array<i32>} : memref<512x64xf32, #tpu.memory_space<vmem>>, vector<16xf32>,
      %mul3A_605 = arith.mulf %get3A_601, %get3A_604 : vector<16xf32>
      %add3A_606 = arith.addf %add3A_598, %mul3A_605 : vector<16xf32>
      %get3A_607 = arith.index_cast %add3A_583 : i32 to index
      %get3A_608 = arith.constant 48 : index
      %get3A_609 = tpu.vector_load %arg11[%get3A_607, %get3A_608] {strides = array<i32>} : memref<512x64xf32, #tpu.memory_space<vmem>>, vector<16xf32>,
      %get3A_610 = arith.index_cast %add3A_583 : i32 to index
      %get3A_611 = arith.constant 48 : index
      %get3A_612 = tpu.vector_load %arg12[%get3A_610, %get3A_611] {strides = array<i32>} : memref<512x64xf32, #tpu.memory_space<vmem>>, vector<16xf32>,
      %mul3A_613 = arith.mulf %get3A_609, %get3A_612 : vector<16xf32>
      %add3A_614 = arith.addf %add3A_606, %mul3A_613 : vector<16xf32>
      %swap3A_615 = arith.constant 15 : i32
      %swap3A_616 = arith.index_cast %swap3A_615 : i32 to index
      %swap3A_617 = arith.constant 0 : index
      %swap3A_618 = tpu.vector_load %arg15[%swap3A_616, %swap3A_617] {strides = array<i32>} : memref<16x16xf32, #tpu.memory_space<vmem>>, vector<16xf32>,
      tpu.vector_store %arg15[%swap3A_616, %swap3A_617], %add3A_614 {strides = array<i32>} : memref<16x16xf32, #tpu.memory_space<vmem>>, vector<16xf32>,
      %get3A_619 = arith.index_cast %mul3A_28 : i32 to index
      %get3A_620 = tpu.vector_load %arg13[%get3A_619] {strides = array<i32>} : memref<512xf32, #tpu.memory_space<vmem>>, vector<16xf32>,
      %get3A_621 = arith.index_cast %mul3A_28 : i32 to index
      %get3A_622 = tpu.vector_load %arg14[%get3A_621] {strides = array<i32>} : memref<512xf32, #tpu.memory_space<vmem>>, vector<16xf32>,
      %add3A_623 = arith.addf %get3A_620, %get3A_622 : vector<16xf32>
      %broadcast_in_dim3A = arith.constant 0 : i32
      %broadcast_in_dim3A_624 = vector.broadcast %broadcast_in_dim3A : i32 to vector<16xi32>
      %gather3A = tpu.vector_load_idx %arg15[%iota3A, %broadcast_in_dim3A_624] : memref<16x16xf32, #tpu.memory_space<vmem>>[vector<16xi32>, vector<16xi32>], vector<16xf32>,
      %add3A_625 = arith.addf %add3A_623, %gather3A : vector<16xf32>
      %broadcast_in_dim3A_626 = arith.constant 1 : i32
      %broadcast_in_dim3A_627 = vector.broadcast %broadcast_in_dim3A_626 : i32 to vector<16xi32>
      %gather3A_628 = tpu.vector_load_idx %arg15[%iota3A, %broadcast_in_dim3A_627] : memref<16x16xf32, #tpu.memory_space<vmem>>[vector<16xi32>, vector<16xi32>], vector<16xf32>,
      %add3A_629 = arith.addf %add3A_625, %gather3A_628 : vector<16xf32>
      %broadcast_in_dim3A_630 = arith.constant 2 : i32
      %broadcast_in_dim3A_631 = vector.broadcast %broadcast_in_dim3A_630 : i32 to vector<16xi32>
      %gather3A_632 = tpu.vector_load_idx %arg15[%iota3A, %broadcast_in_dim3A_631] : memref<16x16xf32, #tpu.memory_space<vmem>>[vector<16xi32>, vector<16xi32>], vector<16xf32>,
      %add3A_633 = arith.addf %add3A_629, %gather3A_632 : vector<16xf32>
      %broadcast_in_dim3A_634 = arith.constant 3 : i32
      %broadcast_in_dim3A_635 = vector.broadcast %broadcast_in_dim3A_634 : i32 to vector<16xi32>
      %gather3A_636 = tpu.vector_load_idx %arg15[%iota3A, %broadcast_in_dim3A_635] : memref<16x16xf32, #tpu.memory_space<vmem>>[vector<16xi32>, vector<16xi32>], vector<16xf32>,
      %add3A_637 = arith.addf %add3A_633, %gather3A_636 : vector<16xf32>
      %broadcast_in_dim3A_638 = arith.constant 4 : i32
      %broadcast_in_dim3A_639 = vector.broadcast %broadcast_in_dim3A_638 : i32 to vector<16xi32>
      %gather3A_640 = tpu.vector_load_idx %arg15[%iota3A, %broadcast_in_dim3A_639] : memref<16x16xf32, #tpu.memory_space<vmem>>[vector<16xi32>, vector<16xi32>], vector<16xf32>,
      %add3A_641 = arith.addf %add3A_637, %gather3A_640 : vector<16xf32>
      %broadcast_in_dim3A_642 = arith.constant 5 : i32
      %broadcast_in_dim3A_643 = vector.broadcast %broadcast_in_dim3A_642 : i32 to vector<16xi32>
      %gather3A_644 = tpu.vector_load_idx %arg15[%iota3A, %broadcast_in_dim3A_643] : memref<16x16xf32, #tpu.memory_space<vmem>>[vector<16xi32>, vector<16xi32>], vector<16xf32>,
      %add3A_645 = arith.addf %add3A_641, %gather3A_644 : vector<16xf32>
      %broadcast_in_dim3A_646 = arith.constant 6 : i32
      %broadcast_in_dim3A_647 = vector.broadcast %broadcast_in_dim3A_646 : i32 to vector<16xi32>
      %gather3A_648 = tpu.vector_load_idx %arg15[%iota3A, %broadcast_in_dim3A_647] : memref<16x16xf32, #tpu.memory_space<vmem>>[vector<16xi32>, vector<16xi32>], vector<16xf32>,
      %add3A_649 = arith.addf %add3A_645, %gather3A_648 : vector<16xf32>
      %broadcast_in_dim3A_650 = arith.constant 7 : i32
      %broadcast_in_dim3A_651 = vector.broadcast %broadcast_in_dim3A_650 : i32 to vector<16xi32>
      %gather3A_652 = tpu.vector_load_idx %arg15[%iota3A, %broadcast_in_dim3A_651] : memref<16x16xf32, #tpu.memory_space<vmem>>[vector<16xi32>, vector<16xi32>], vector<16xf32>,
      %add3A_653 = arith.addf %add3A_649, %gather3A_652 : vector<16xf32>
      %broadcast_in_dim3A_654 = arith.constant 8 : i32
      %broadcast_in_dim3A_655 = vector.broadcast %broadcast_in_dim3A_654 : i32 to vector<16xi32>
      %gather3A_656 = tpu.vector_load_idx %arg15[%iota3A, %broadcast_in_dim3A_655] : memref<16x16xf32, #tpu.memory_space<vmem>>[vector<16xi32>, vector<16xi32>], vector<16xf32>,
      %add3A_657 = arith.addf %add3A_653, %gather3A_656 : vector<16xf32>
      %broadcast_in_dim3A_658 = arith.constant 9 : i32
      %broadcast_in_dim3A_659 = vector.broadcast %broadcast_in_dim3A_658 : i32 to vector<16xi32>
      %gather3A_660 = tpu.vector_load_idx %arg15[%iota3A, %broadcast_in_dim3A_659] : memref<16x16xf32, #tpu.memory_space<vmem>>[vector<16xi32>, vector<16xi32>], vector<16xf32>,
      %add3A_661 = arith.addf %add3A_657, %gather3A_660 : vector<16xf32>
      %broadcast_in_dim3A_662 = arith.constant 10 : i32
      %broadcast_in_dim3A_663 = vector.broadcast %broadcast_in_dim3A_662 : i32 to vector<16xi32>
      %gather3A_664 = tpu.vector_load_idx %arg15[%iota3A, %broadcast_in_dim3A_663] : memref<16x16xf32, #tpu.memory_space<vmem>>[vector<16xi32>, vector<16xi32>], vector<16xf32>,
      %add3A_665 = arith.addf %add3A_661, %gather3A_664 : vector<16xf32>
      %broadcast_in_dim3A_666 = arith.constant 11 : i32
      %broadcast_in_dim3A_667 = vector.broadcast %broadcast_in_dim3A_666 : i32 to vector<16xi32>
      %gather3A_668 = tpu.vector_load_idx %arg15[%iota3A, %broadcast_in_dim3A_667] : memref<16x16xf32, #tpu.memory_space<vmem>>[vector<16xi32>, vector<16xi32>], vector<16xf32>,
      %add3A_669 = arith.addf %add3A_665, %gather3A_668 : vector<16xf32>
      %broadcast_in_dim3A_670 = arith.constant 12 : i32
      %broadcast_in_dim3A_671 = vector.broadcast %broadcast_in_dim3A_670 : i32 to vector<16xi32>
      %gather3A_672 = tpu.vector_load_idx %arg15[%iota3A, %broadcast_in_dim3A_671] : memref<16x16xf32, #tpu.memory_space<vmem>>[vector<16xi32>, vector<16xi32>], vector<16xf32>,
      %add3A_673 = arith.addf %add3A_669, %gather3A_672 : vector<16xf32>
      %broadcast_in_dim3A_674 = arith.constant 13 : i32
      %broadcast_in_dim3A_675 = vector.broadcast %broadcast_in_dim3A_674 : i32 to vector<16xi32>
      %gather3A_676 = tpu.vector_load_idx %arg15[%iota3A, %broadcast_in_dim3A_675] : memref<16x16xf32, #tpu.memory_space<vmem>>[vector<16xi32>, vector<16xi32>], vector<16xf32>,
      %add3A_677 = arith.addf %add3A_673, %gather3A_676 : vector<16xf32>
      %broadcast_in_dim3A_678 = arith.constant 14 : i32
      %broadcast_in_dim3A_679 = vector.broadcast %broadcast_in_dim3A_678 : i32 to vector<16xi32>
      %gather3A_680 = tpu.vector_load_idx %arg15[%iota3A, %broadcast_in_dim3A_679] : memref<16x16xf32, #tpu.memory_space<vmem>>[vector<16xi32>, vector<16xi32>], vector<16xf32>,
      %add3A_681 = arith.addf %add3A_677, %gather3A_680 : vector<16xf32>
      %broadcast_in_dim3A_682 = arith.constant 15 : i32
      %broadcast_in_dim3A_683 = vector.broadcast %broadcast_in_dim3A_682 : i32 to vector<16xi32>
      %gather3A_684 = tpu.vector_load_idx %arg15[%iota3A, %broadcast_in_dim3A_683] : memref<16x16xf32, #tpu.memory_space<vmem>>[vector<16xi32>, vector<16xi32>], vector<16xf32>,
      %add3A_685 = arith.addf %add3A_681, %gather3A_684 : vector<16xf32>
      %swap3A_686 = arith.index_cast %mul3A_28 : i32 to index
      %swap3A_687 = tpu.vector_load %arg16[%swap3A_686] {strides = array<i32>} : memref<512xf32, #tpu.memory_space<vmem>>, vector<16xf32>,
      tpu.vector_store %arg16[%swap3A_686], %add3A_685 {strides = array<i32>} : memref<512xf32, #tpu.memory_space<vmem>>, vector<16xf32>,
    }
    %scan3A_25 = arith.constant 32 : i32
    "tpu.region"() ({
      %run_scoped3A = tpu.sem_alloc : memref<!tpu.dma_semaphore, #tpu.memory_space<semaphore_mem>>
      %dma_start3A_26 = tpu.memref_slice %arg8[%mul3A_2] : memref<16384xf32, #tpu.memory_space<hbm>> -> memref<512xf32, #tpu.memory_space<hbm>>
      %dma_start3A_27 = tpu.memref_slice %arg8[%mul3A_2] : memref<16384xf32, #tpu.memory_space<hbm>> -> memref<512xf32, #tpu.memory_space<hbm>>
      tpu.enqueue_dma source(%arg16 : memref<512xf32, #tpu.memory_space<vmem>>) target(%dma_start3A_27 : memref<512xf32, #tpu.memory_space<hbm>>) target_semaphore(%run_scoped3A : memref<!tpu.dma_semaphore, #tpu.memory_space<semaphore_mem>>)
      %dma_wait3A_28 = tpu.memref_slice %arg8[%mul3A_2] : memref<16384xf32, #tpu.memory_space<hbm>> -> memref<512xf32, #tpu.memory_space<hbm>>
      %dma_wait3A_29 = tpu.memref_slice %arg8[%mul3A_2] : memref<16384xf32, #tpu.memory_space<hbm>> -> memref<512xf32, #tpu.memory_space<hbm>>
      tpu.wait_dma2 semaphore(%run_scoped3A : memref<!tpu.dma_semaphore, #tpu.memory_space<semaphore_mem>>) src(%arg16 : memref<512xf32, #tpu.memory_space<vmem>>) dst(%dma_wait3A_29 : memref<512xf32, #tpu.memory_space<hbm>>)
      tpu.yield
    }) : () -> ()
    return
  }
}

</mosaic_0001>

<sc_bundles>
// kernel: kernel.3.cloned.1.call-start
scs
__scs_entry_jumppad:
0x0: {  	(pc) =	sbr.rel $0x88, $3  }
0x1: {  	(tag) =	ssettag $0x0;
	lr =	simm.s32 $0x1  }
0x2: {  	[smem:$0x3F9B] =	sst lr;
	_ =	strace $0xD0000000  }
0x3: {  	_ = 	snop  }
0x4: {  	_ = 	snop  }
0x5: {  	_ = 	snop  }
0x6: {  	_ = 	snop  }
0x7: {  	_ = 	snop  }
__scs_overlays_trampoline_lowered:
0x8: {  	[smem:$0x3FAA] =	sst s0  }
0x9: {  	[smem:$0x3FAB] =	sst s1  }
0xa: {  	[smem:$0x3FAC] =	sst s2  }
0xb: {  	[smem:$0x3FAD] =	sst s3  }
0xc: {  	[smem:$0x3FAE] =	sst s4  }
0xd: {  	[smem:$0x3FAF] =	sst s5  }
0xe: {  	[smem:$0x3FB0] =	sst s6  }
0xf: {  	[smem:$0x3FB1] =	sst s7  }
0x10: {  	[smem:$0x3FB2] =	sst s8  }
0x11: {  	[smem:$0x3FB3] =	sst s9;
	s0 =	simm.s32 @!p0 $0x0  }
0x12: {  	s1 =	sld [smem:$0x3F99];
	s0 =	simm.s32 @p0 $0x1  }
0x13: {  	[smem:$0x3FB4] =	sst s0;
	s0 =	simm.s32 @!p1 $0x0  }
0x14: {  	s2 =	sld [smem:$0x3F98];
	s0 =	simm.s32 @p1 $0x1  }
0x15: {  	[smem:$0x3FB5] =	sst s0;
	s0 =	simm.s32 @!p2 $0x0  }
0x16: {  	s3 =	sld [smem:$0x3FDB];
	s0 =	simm.s32 @p2 $0x1  }
0x17: {  	s4 =	simm.s32 $0x1BF5;
	[smem:$0x3FB7] =	sst s0  }
0x18: {  	s0 =	sld [smem:$0x3F9A];
	_ =	swait.ge [sflag:s4], $0x0  }
0x19: {  	s7 =	sld [smem:$0x3F9B]  }
0x1a: {  	s8 =	sadd.s32 $0xFFFFE003, lr  }
0x1b: {  	s9 =	sadd.s32 $0xFFFFFEF7, lr;
	s5 =	simm.s32 $0xFFFFFFFF;
	p2 =	slt.u32 s8, $0xFFFFF086  }
0x1c: {  	p1 =	slt.u32 s9, $0xF7A;
	s5 =	simm.s32 @!p2 $0x0  }
0x1d: {  	s5 =	simm.s32 @p1 $0x1;
	p0 =	seq.s32 s7, s2  }
0x1e: {  	s7 =	smul.u32 @!p0 $0xF7A, s2;
	p2 =	seq.s32 @!p0 s5, $0x0  }
0x1f: {  	s9 =	smul.u32 $0xF7A, s1;
	s8 =	simm.s32 @!p0 $0x1BF5;
	p2 =	por !p2, p0  }
0x20: {  	[sflag:s8] =	ssyncset.s32 @!p0 $0xFFFFF086;
	s6 =	sadd.s32 @!p0 s3, s7;
	s7 =	simm.s32 @!p0 $0x108  }
0x21: {  	s3 =	sadd.s32 s3, s9;
	s6 =	sadd.s32 @!p0 $0x88, s6;
	s7 =	simm.s32 @p2 $0x1082  }
0x22: {  	[simem:s7], [sflag:s8] =	dma.local @!p0 [hbm:s6], $0xF7A  }
0x23: {  	s9 =	sor.u32 $0xD0000000, s2;
	s6 =	simm.s32 $0x108;
	_ =	swait.ge @!p0 [sflag:s8], $0x0  }
0x24: {  	s3 =	sadd.s32 $0x88, s3;
	s6 =	simm.s32 @!p1 $0x1082;
	[sflag:s4] =	ssyncset.s32 $0xFFFFF086  }
0x25: {  	[simem:s6], [sflag:s4] =	dma.local [hbm:s3], $0xF7A  }
0x26: {  	[smem:$0x3F9B] =	sst s1;
	(tag) =	ssettag s2;
	_ =	strace s9  }
0x27: {  	s1 =	sld [smem:$0x3FAB]  }
0x28: {  	s2 =	sld [smem:$0x3FAC]  }
0x29: {  	s4 =	sld [smem:$0x3FAE]  }
0x2a: {  	p0 =	seq.s32 s5, $0x0;
	s5 =	sld [smem:$0x3FAF]  }
0x2b: {  	s6 =	sld [smem:$0x3FB0]  }
0x2c: {  	s7 =	sld [smem:$0x3FB1]  }
0x2d: {  	s3 =	simm.s32 $0x108;
	s8 =	sld [smem:$0x3FB2]  }
0x2e: {  	s3 =	simm.s32 @!p0 $0x1082;
	s9 =	sld [smem:$0x3FB3]  }
0x2f: {  	lr =	sadd.s32 s0, s3;
	s0 =	sld [smem:$0x3FAA]  }
0x30: {  	s3 =	sld [smem:$0x3FAD]  }
0x31: {  	[smem:$0x3FB6] =	sst s10  }
0x32: {  	s10 =	sld [smem:$0x3FB4];
	_ =	sdelay $0x3  }
0x33: {  	p0 =	seq.s32 s10, $0x1;
	s10 =	sld [smem:$0x3FB6];
	_ =	sdelay $0x3  }
0x34: {  	[smem:$0x3FB6] =	sst s10  }
0x35: {  	s10 =	sld [smem:$0x3FB5];
	_ =	sdelay $0x3  }
0x36: {  	p1 =	seq.s32 s10, $0x1;
	s10 =	sld [smem:$0x3FB6];
	_ =	sdelay $0x3  }
0x37: {  	[smem:$0x3FB6] =	sst s10  }
0x38: {  	s10 =	sld [smem:$0x3FB7]  }
0x39: {  	_ = 	snop;
	(pc) =	sbr.ind lr, $3  }
0x3a: {  	_ = 	snop  }
0x3b: {  	_ = 	snop  }
0x3c: {  	p2 =	seq.s32 s10, $0x1;
	s10 =	sld [smem:$0x3FB6]  }
0x3d: {  	_ =	shalt  }
0x3e: {  	_ =	shalt  }
0x3f: {  	_ =	shalt  }
0x40: {  	_ =	shalt  }
0x41: {  	_ =	shalt  }
0x42: {  	_ =	shalt  }
0x43: {  	_ =	shalt  }
0x44: {  	_ =	shalt  }
0x45: {  	_ =	shalt  }
0x46: {  	_ =	shalt  }
0x47: {  	_ =	shalt  }
0x48: {  	_ =	shalt  }
0x49: {  	_ =	shalt  }
0x4a: {  	_ =	shalt  }
0x4b: {  	_ =	shalt  }
0x4c: {  	_ =	shalt  }
0x4d: {  	_ =	shalt  }
0x4e: {  	_ =	shalt  }
0x4f: {  	_ =	shalt  }
0x50: {  	_ =	shalt  }
0x51: {  	_ =	shalt  }
0x52: {  	_ =	shalt  }
0x53: {  	_ =	shalt  }
0x54: {  	_ =	shalt  }
0x55: {  	_ =	shalt  }
0x56: {  	_ =	shalt  }
0x57: {  	_ =	shalt  }
0x58: {  	_ =	shalt  }
0x59: {  	_ =	shalt  }
0x5a: {  	_ =	shalt  }
0x5b: {  	_ =	shalt  }
0x5c: {  	_ =	shalt  }
0x5d: {  	_ =	shalt  }
0x5e: {  	_ =	shalt  }
0x5f: {  	_ =	shalt  }
0x60: {  	_ =	shalt  }
0x61: {  	_ =	shalt  }
0x62: {  	_ =	shalt  }
0x63: {  	_ =	shalt  }
0x64: {  	_ =	shalt  }
0x65: {  	_ =	shalt  }
0x66: {  	_ =	shalt  }
0x67: {  	_ =	shalt  }
0x68: {  	_ =	shalt  }
0x69: {  	_ =	shalt  }
0x6a: {  	_ =	shalt  }
0x6b: {  	_ =	shalt  }
0x6c: {  	_ =	shalt  }
0x6d: {  	_ =	shalt  }
0x6e: {  	_ =	shalt  }
0x6f: {  	_ =	shalt  }
0x70: {  	_ =	shalt  }
0x71: {  	_ =	shalt  }
0x72: {  	_ =	shalt  }
0x73: {  	_ =	shalt  }
0x74: {  	_ =	shalt  }
0x75: {  	_ =	shalt  }
0x76: {  	_ =	shalt  }
0x77: {  	_ =	shalt  }
0x78: {  	_ =	shalt  }
0x79: {  	_ =	shalt  }
0x7a: {  	_ =	shalt  }
0x7b: {  	_ =	shalt  }
0x7c: {  	_ =	shalt  }
0x7d: {  	_ =	shalt  }
0x7e: {  	_ =	shalt  }
0x7f: {  	_ =	shalt  }
0x80: {  	_ =	shalt  }
0x81: {  	_ =	shalt  }
0x82: {  	_ =	shalt  }
0x83: {  	_ =	shalt  }
0x84: {  	_ =	shalt  }
0x85: {  	_ =	shalt  }
0x86: {  	_ =	shalt  }
0x87: {  	_ =	shalt  }
.Lfunc_end0:
.L_simem_size_0:
called_computation_lowered:
.L_overlay_start_0:
0x88: {  	s2 =	sld [smem:$0x3FD9]  }
0x89: {  	s3 =	sld [smem:$0x3FFE];
	_ =	sdelay $0x1  }
0x8a: {  	s1 =	srdreg.scid  }
0x8b: {  	s0 =	sand.u32 $0x1, s1  }
0x8c: {  	s17 =	sshll.u32 s0, $0xA;
	s2 =	sadd.s32 s3, s2  }
0x8d: {  	s2 =	sadd.s32 s2, s17  }
0x8e: {  	[smem:$0x3FC2] =	sst s2  }
0x8f: {  	_ = 	snop  }
0x90: {  	s2 =	sld [smem:$0x3FC9]  }
0x91: {  	s18 =	sld [smem:$0x3FC8]  }
0x92: {  	s4 =	sld [smem:$0x3FD0];
	(tm) =	ssettm $0x1  }
0x93: {  	s5 =	sld [smem:$0x3FFB];
	_ =	sdelay $0x3  }
0x94: {  	_ =	strace s5  }
0x95: {  	s5 =	sld [smem:$0x3FFC];
	_ =	sdelay $0x3  }
0x96: {  	_ =	strace s5  }
0x97: {  	s5 =	sld [smem:$0x3FFD];
	_ =	sdelay $0x3  }
0x98: {  	_ =	strace s5  }
0x99: {  	_ =	strace $0x8FFFFFFF  }
0x9a: {  	s19 =	sld [smem:$0x3FDB];
	_ =	sdelay $0x1  }
0x9b: {  	s6 =	simm.s32 $_scs_section_size  }
0x9c: {  	s7 =	simm.s32 $_size__tile_overlayer_lowered;
	s8 =	simm.s32 $_tile_overlayer_lowered  }
0x9d: {  	s22 =	simm.s32 $0x1BFF;
	s21 =	sshll.u32 s8, $0x1;
	s5 =	sadd.s32 s6, s19  }
0x9e: {  	s9 =	simm.s32 $0x0;
	s20 =	sshll.u32 s7, $0x1;
	s7 =	sadd.s32 s21, s5  }
0x9f: {  	[timem:s9], [sflag:s22] =	dma.local [hbm:s7], s20  }
0xa0: {  	_ =	swait.ge [sflag:s22], s20  }
0xa1: {  	s6 =	ssub.s32 $0x0, s20;
	[sflag:s22] =	ssyncset.done $0x0  }
0xa2: {  	[sflag:s22] =	ssyncadd.s32 s6;
	_ =	sdelay $0x1  }
0xa3: {  	s23 =	simm.s32 $0x1B8B  }
0xa4: {  	_ =	swait.ge [sflag:s23], $0x1  }
0xa5: {  	[sflag:s23] =	ssyncset.done $0x0  }
0xa6: {  	s25 =	simm.s32 $0x1B8E;
	s24 =	sld [smem:$0x3FFE];
	[sflag:s23] =	ssyncadd.s32 $0xFFFFFFFF  }
0xa7: {  	s26 =	simm.s32 $execute0_lowered;
	[smem:$0x3FD2] =	sst s25  }
0xa8: {  	s7 =	sshll.u32 s26, $0x1;
	_ =	strace $0x80000046;
	[dreg:$0x1] =	wrdreg $0xFFFFFFFF  }
0xa9: {  	s28 =	simm.s32 $_size_execute0_lowered;
	s5 =	sadd.s32 s5, s7;
	[dreg:$0x0] =	wrdreg $0x0  }
0xaa: {  	s7 =	sshll.u32 s28, $0x1;
	[dreg:$0x2] =	wrdreg s5  }
0xab: {  	[dreg:$0x3] =	wrdreg s7  }
0xac: {  	[dreg:$0x4] =	wrdreg $0xC0  }
0xad: {  	_ =	task [dreg:s9], $0x5FFFF  }
0xae: {  	[dreg:$0x1] =	wrdreg $0xFFFFFFFF  }
0xaf: {  	[dreg:$0x0] =	wrdreg $0x60  }
0xb0: {  	[dreg:$0x2] =	wrdreg s2  }
0xb1: {  	[dreg:$0x3] =	wrdreg s18  }
0xb2: {  	[dreg:$0x4] =	wrdreg s24  }
0xb3: {  	[dreg:$0x5] =	wrdreg s4  }
0xb4: {  	[dreg:$0x6] =	wrdreg $0x9  }
0xb5: {  	_ =	task.clear_ibuf [dreg:s9], $0x7FFFF;
	_ =	strace $0x90000046  }
0xb6: {  	s29 =	simm.s32 $0x9;
	_ =	strace $0x80000048  }
0xb7: {  	_ =	swait.ge [sflag:s29], $0x1  }
0xb8: {  	[sflag:s29] =	ssyncadd.s32 $0xFFFFFFFF  }
0xb9: {  	_ =	strace $0x90000048  }
0xba: {  	_ =	sfence  }
0xbb: {  	s30 =	sld [smem:$0x0];
	_ =	sdelay $0x2  }
0xbc: {  	s31 =	sshll.u32 s1, $0xD;
	s1 =	sshrl.u32 s1, $0x2  }
0xbd: {  	s3 =	sand.u32 $0x4000, s31;
	s1 =	sadd.s32 s1, s30  }
0xbe: {  	s0 =	sor.u32 s3, s0;
	s1 =	sshll.u32 s1, $0x11  }
0xbf: {  	s0 =	sor.u32 s1, s0  }
0xc0: {  	s0 =	sadd.s32 $0x8F2B, s0  }
0xc1: {  	[sflag:s0] =	ssyncadd.remote.s32 $0x1  }
0xc2: {  	_ =	sfence.sel $0xFFFF  }
0xc3: {  	[dreg:$0x0] =	wrdreg $0xFFFFFFFF;
	(pc) =	sbr.abs _section_cstart, $3  }
0xc4: {  	[dreg:$0x1] =	wrdreg $0xFFFFFFFF  }
0xc5: {  	_ =	task.clear_ibuf [dreg:s9], $0x2FFFF;
	_ =	strace $0x9FFFFFFF  }
0xc6: {  	(tm) =	ssettm $0x7FFFFFFF  }
0xc7: {  	_ =	shalt  }
tec
execute0_lowered:
.L_overlay_start_1:
0x0: {  	(tag) =	ssettag $0x1  }
0x1: {  	s7 =	rddreg [dreg:$0x0]  }
0x2: {  	s8 =	rddreg [dreg:$0x1]  }
0x3: {  	s1 =	rddreg [dreg:$0x2]  }
0x4: {  	s9 =	rddreg [dreg:$0x3]  }
0x5: {  	s0 =	rddreg [dreg:$0x4];
	s2 =	simm.s32 $0x0;
	s6 =	srdreg.scid  }
0x6: {  	s3 =	stileid.u32;
	s14 =	simm.s32 $0x8400;
	s15 =	simm.s32 $0x10400  }
0x7: {  	v0 =	vlaneseq.u32;
	s16 =	simm.s32 $0x10600;
	s17 =	simm.s32 $0x1;
	s18 =	simm.s32 $0x10800  }
0x8: {  	s19 =	simm.s32 $0x10900;
	s20 =	simm.s32 $0x0;
	[smem:$0x7FF] =	sst s2;
	v0 =	vmul.u32 $0x10, v0  }
0x9: {  	s4 =	sadd.s32 $0x16E3600, s1;
	s5 =	sadd.s32 $0x1EA00, s1;
	s6 =	sand.u32 $0x1, s6  }
0xa: {  	s11 =	sshll.u32 s3, $0x7;
	_ =	strace $0x80000047;
	s10 =	ssub.s32 $0x2, s6;
	v1 =	vor.u32 $0x1, v0;
	v2 =	vor.u32 $0x2, v0;
	v3 =	vor.u32 $0x3, v0  }
0xb: {  	s12 =	sshll.u32 s6, $0x6;
	s6 =	sadd.s32 $0xF42400, s1;
	s13 =	sshrl.u32 s10, $0x1;
	v4 =	vor.u32 $0x4, v0;
	v5 =	vor.u32 $0x5, v0;
	v6 =	vor.u32 $0x6, v0  }
0xc: {  	s11 =	sor.u32 s12, s11;
	s12 =	simm.s32 $0x200;
	v7 =	vor.u32 $0x7, v0;
	v8 =	vor.u32 $0x8, v0;
	v9 =	vor.u32 $0x9, v0;
	s10 =	ssub.s32 s10, s13  }
0xd: {  	v10 =	vor.u32 $0xA, v0;
	v11 =	vor.u32 $0xB, v0;
	v12 =	vor.u32 $0xC, v0;
	s7 =	sadd.s32 s7, s11;
	s8 =	sadd.s32 s8, s11;
	s9 =	sadd.s32 s9, s11  }
0xe: {  	v13 =	vor.u32 $0xD, v0;
	v14 =	vor.u32 $0xE, v0;
	v15 =	vor.u32 $0xF, v0;
	s11 =	simm.s32 $0x2;
	s13 =	simm.s32 $0x400;
	s10 =	smax.u32 s10, $0x1  }
.LBB2_1:
0xf: {  	[tilespmem:s2], [sflag:$0x2] =	stream.linear.gather [hbm4b:s7+s2], $0x200, $0x38;
	[tilespmem:$0x10B00] =	vst v63  }
0x10: {  	_ =	swait.ge [sflag:s11], $0x200  }
0x11: {  	[sflag:s11] =	ssyncset.done $0x0  }
0x12: {  	[sflag:s11] =	ssyncadd.s32 $0xFFFFFE00  }
0x13: {  	[tilespmem:s12], [sflag:$0x2] =	stream.linear.gather [hbm4b:s8+s2], $0x200, $0x38;
	[tilespmem:$0x10B00] =	vst v63  }
0x14: {  	_ =	swait.ge [sflag:s11], $0x200  }
0x15: {  	[sflag:s11] =	ssyncset.done $0x0  }
0x16: {  	[sflag:s11] =	ssyncadd.s32 $0xFFFFFE00  }
0x17: {  	[tilespmem:s13], [sflag:$0x1] =	stream.indirect.gather [hbm4b:s4+s12], $0x40, s2, s12, $0xb8;
	[tilespmem:$0x10B00] =	vst v63  }
0x18: {  	_ = 	snop  }
0x19: {  	[tilespmem:s14], [sflag:$0x1] =	stream.indirect.gather [hbm4b:s6+s12], $0x40, s12, s12, $0xb8;
	[tilespmem:$0x10B00] =	vst v63  }
0x1a: {  	_ = 	snop  }
0x1b: {  	[tilespmem:s15], [sflag:$0x1] =	stream.indirect.gather [hbm4b:s5+s12], $0x1, s2, s12, $0xb8;
	[tilespmem:$0x10B00] =	vst v63  }
0x1c: {  	_ = 	snop  }
0x1d: {  	[tilespmem:s16], [sflag:$0x1] =	stream.indirect.gather [hbm4b:s1+s12], $0x1, s12, s12, $0xb8;
	[tilespmem:$0x10B00] =	vst v63  }
0x1e: {  	_ =	swait.ge [sflag:s17], $0x8000  }
0x1f: {  	[sflag:s17] =	ssyncset.done $0x0  }
0x20: {  	[sflag:s17] =	ssyncadd.s32 $0xFFFF8000  }
0x21: {  	_ =	swait.ge [sflag:s17], $0x8000  }
0x22: {  	[sflag:s17] =	ssyncset.done $0x0  }
0x23: {  	[sflag:s17] =	ssyncadd.s32 $0xFFFF8000  }
0x24: {  	_ =	swait.ge [sflag:s17], $0x200  }
0x25: {  	[sflag:s17] =	ssyncset.done $0x0  }
0x26: {  	[sflag:s17] =	ssyncadd.s32 $0xFFFFFE00  }
0x27: {  	_ =	swait.ge [sflag:s17], $0x200  }
0x28: {  	[sflag:s17] =	ssyncset.done $0x0  }
0x29: {  	s21 =	simm.s32 $0x600;
	[sflag:s17] =	ssyncadd.s32 $0xFFFFFE00  }
0x2a: {  	s22 =	simm.s32 $0x8600;
	v16 =	vld [tilespmem:s21+$0xFFFFFE00]  }
0x2b: {  	v17 =	vld [tilespmem:s22+$0xFFFFFE10]  }
0x2c: {  	v18 =	vld [tilespmem:s21+$0xFFFFFE10]  }
0x2d: {  	v19 =	vld [tilespmem:s22+$0xFFFFFE00]  }
0x2e: {  	v20 =	vld [tilespmem:s22+$0xFFFFFE20]  }
0x2f: {  	v21 =	vld [tilespmem:s21+$0xFFFFFE20]  }
0x30: {  	v22 =	vld [tilespmem:s22+$0xFFFFFE30]  }
0x31: {  	v23 =	vld [tilespmem:s21+$0xFFFFFE30]  }
0x32: {  	v17 =	vmul.f32 v17, v18;
	v16 =	vmul.f32 v19, v16;
	_ =	sdelay $0x1  }
0x33: {  	v16 =	vadd.f32 v17, v16;
	v17 =	vmul.f32 v20, v21;
	_ =	sdelay $0x1  }
0x34: {  	v16 =	vadd.f32 v17, v16;
	v17 =	vmul.f32 v22, v23;
	_ =	sdelay $0x1  }
0x35: {  	v16 =	vadd.f32 v17, v16;
	_ =	sdelay $0x1  }
0x36: {  	[tilespmem:$0x10800] =	vst v16  }
0x37: {  	v16 =	vld [tilespmem:s22+$0xFFFFFE50]  }
0x38: {  	v17 =	vld [tilespmem:s21+$0xFFFFFE40]  }
0x39: {  	v18 =	vld [tilespmem:s21+$0xFFFFFE50]  }
0x3a: {  	v19 =	vld [tilespmem:s22+$0xFFFFFE40]  }
0x3b: {  	v20 =	vld [tilespmem:s22+$0xFFFFFE60]  }
0x3c: {  	v60 =	vld [tilespmem:s21+$0xFFFFFE60]  }
0x3d: {  	v61 =	vld [tilespmem:s22+$0xFFFFFE70]  }
0x3e: {  	v62 =	vld [tilespmem:s21+$0xFFFFFE70]  }
0x3f: {  	v16 =	vmul.f32 v16, v18;
	v17 =	vmul.f32 v19, v17;
	_ =	sdelay $0x1  }
0x40: {  	v16 =	vadd.f32 v16, v17;
	v17 =	vmul.f32 v20, v60;
	_ =	sdelay $0x1  }
0x41: {  	v16 =	vadd.f32 v17, v16;
	v17 =	vmul.f32 v61, v62;
	_ =	sdelay $0x1  }
0x42: {  	v16 =	vadd.f32 v17, v16;
	_ =	sdelay $0x1  }
0x43: {  	[tilespmem:$0x10810] =	vst v16  }
0x44: {  	v16 =	vld [tilespmem:s21+$0xFFFFFE80]  }
0x45: {  	v17 =	vld [tilespmem:s22+$0xFFFFFE80]  }
0x46: {  	v18 =	vld [tilespmem:s22+$0xFFFFFE90]  }
0x47: {  	v19 =	vld [tilespmem:s21+$0xFFFFFE90]  }
0x48: {  	v20 =	vld [tilespmem:s22+$0xFFFFFEA0]  }
0x49: {  	v63 =	vld [tilespmem:s21+$0xFFFFFEA0]  }
0x4a: {  	v24 =	vld [tilespmem:s22+$0xFFFFFEB0]  }
0x4b: {  	v25 =	vld [tilespmem:s21+$0xFFFFFEB0]  }
0x4c: {  	v16 =	vmul.f32 v17, v16;
	v17 =	vmul.f32 v18, v19;
	_ =	sdelay $0x1  }
0x4d: {  	v16 =	vadd.f32 v17, v16;
	v17 =	vmul.f32 v20, v63;
	_ =	sdelay $0x1  }
0x4e: {  	v16 =	vadd.f32 v17, v16;
	v17 =	vmul.f32 v24, v25;
	_ =	sdelay $0x1  }
0x4f: {  	v16 =	vadd.f32 v17, v16;
	_ =	sdelay $0x1  }
0x50: {  	[tilespmem:$0x10820] =	vst v16  }
0x51: {  	v16 =	vld [tilespmem:s22+$0xFFFFFEC0]  }
0x52: {  	v17 =	vld [tilespmem:s21+$0xFFFFFEC0]  }
0x53: {  	v18 =	vld [tilespmem:s21+$0xFFFFFED0]  }
0x54: {  	v19 =	vld [tilespmem:s22+$0xFFFFFED0]  }
0x55: {  	v20 =	vld [tilespmem:s22+$0xFFFFFEE0]  }
0x56: {  	v26 =	vld [tilespmem:s21+$0xFFFFFEE0]  }
0x57: {  	v27 =	vld [tilespmem:s22+$0xFFFFFEF0]  }
0x58: {  	v28 =	vld [tilespmem:s21+$0xFFFFFEF0]  }
0x59: {  	v16 =	vmul.f32 v16, v17;
	v17 =	vmul.f32 v19, v18;
	_ =	sdelay $0x1  }
0x5a: {  	v16 =	vadd.f32 v17, v16;
	v17 =	vmul.f32 v20, v26;
	_ =	sdelay $0x1  }
0x5b: {  	v16 =	vadd.f32 v17, v16;
	v17 =	vmul.f32 v27, v28;
	_ =	sdelay $0x1  }
0x5c: {  	v16 =	vadd.f32 v17, v16;
	_ =	sdelay $0x1  }
0x5d: {  	[tilespmem:$0x10830] =	vst v16  }
0x5e: {  	v16 =	vld [tilespmem:s22+$0xFFFFFF10]  }
0x5f: {  	v17 =	vld [tilespmem:s21+$0xFFFFFF00]  }
0x60: {  	v18 =	vld [tilespmem:s22+$0xFFFFFF00]  }
0x61: {  	v19 =	vld [tilespmem:s21+$0xFFFFFF10]  }
0x62: {  	v20 =	vld [tilespmem:s22+$0xFFFFFF20]  }
0x63: {  	v29 =	vld [tilespmem:s21+$0xFFFFFF20]  }
0x64: {  	v30 =	vld [tilespmem:s22+$0xFFFFFF30]  }
0x65: {  	v31 =	vld [tilespmem:s21+$0xFFFFFF30]  }
0x66: {  	v17 =	vmul.f32 v18, v17;
	v16 =	vmul.f32 v16, v19;
	_ =	sdelay $0x1  }
0x67: {  	v16 =	vadd.f32 v16, v17;
	v17 =	vmul.f32 v20, v29;
	_ =	sdelay $0x1  }
0x68: {  	v16 =	vadd.f32 v17, v16;
	v17 =	vmul.f32 v30, v31;
	_ =	sdelay $0x1  }
0x69: {  	v16 =	vadd.f32 v17, v16;
	_ =	sdelay $0x1  }
0x6a: {  	[tilespmem:$0x10840] =	vst v16  }
0x6b: {  	v16 =	vld [tilespmem:s22+$0xFFFFFF50]  }
0x6c: {  	v17 =	vld [tilespmem:s21+$0xFFFFFF40]  }
0x6d: {  	v18 =	vld [tilespmem:s22+$0xFFFFFF40]  }
0x6e: {  	v19 =	vld [tilespmem:s21+$0xFFFFFF50]  }
0x6f: {  	v20 =	vld [tilespmem:s22+$0xFFFFFF60]  }
0x70: {  	v32 =	vld [tilespmem:s21+$0xFFFFFF60]  }
0x71: {  	v33 =	vld [tilespmem:s22+$0xFFFFFF70]  }
0x72: {  	v34 =	vld [tilespmem:s21+$0xFFFFFF70]  }
0x73: {  	v17 =	vmul.f32 v18, v17;
	v16 =	vmul.f32 v16, v19;
	_ =	sdelay $0x1  }
0x74: {  	v16 =	vadd.f32 v16, v17;
	v17 =	vmul.f32 v20, v32;
	_ =	sdelay $0x1  }
0x75: {  	v16 =	vadd.f32 v17, v16;
	v17 =	vmul.f32 v33, v34;
	_ =	sdelay $0x1  }
0x76: {  	v16 =	vadd.f32 v17, v16;
	_ =	sdelay $0x1  }
0x77: {  	[tilespmem:$0x10850] =	vst v16  }
0x78: {  	v16 =	vld [tilespmem:s22+$0xFFFFFF80]  }
0x79: {  	v17 =	vld [tilespmem:s22+$0xFFFFFF90]  }
0x7a: {  	v18 =	vld [tilespmem:s21+$0xFFFFFF90]  }
0x7b: {  	v19 =	vld [tilespmem:s21+$0xFFFFFF80]  }
0x7c: {  	v20 =	vld [tilespmem:s22+$0xFFFFFFA0]  }
0x7d: {  	v35 =	vld [tilespmem:s21+$0xFFFFFFA0]  }
0x7e: {  	v36 =	vld [tilespmem:s22+$0xFFFFFFB0]  }
0x7f: {  	v37 =	vld [tilespmem:s21+$0xFFFFFFB0]  }
0x80: {  	v17 =	vmul.f32 v17, v18;
	v16 =	vmul.f32 v16, v19;
	_ =	sdelay $0x1  }
0x81: {  	v16 =	vadd.f32 v17, v16;
	v17 =	vmul.f32 v20, v35;
	_ =	sdelay $0x1  }
0x82: {  	v16 =	vadd.f32 v17, v16;
	v17 =	vmul.f32 v36, v37;
	_ =	sdelay $0x1  }
0x83: {  	v16 =	vadd.f32 v17, v16;
	_ =	sdelay $0x1  }
0x84: {  	[tilespmem:$0x10860] =	vst v16  }
0x85: {  	v16 =	vld [tilespmem:s22+$0xFFFFFFD0]  }
0x86: {  	v17 =	vld [tilespmem:s22+$0xFFFFFFC0]  }
0x87: {  	v18 =	vld [tilespmem:s21+$0xFFFFFFC0]  }
0x88: {  	v19 =	vld [tilespmem:s21+$0xFFFFFFD0]  }
0x89: {  	v20 =	vld [tilespmem:s22+$0xFFFFFFE0]  }
0x8a: {  	v38 =	vld [tilespmem:s21+$0xFFFFFFE0]  }
0x8b: {  	v39 =	vld [tilespmem:s22+$0xFFFFFFF0]  }
0x8c: {  	v40 =	vld [tilespmem:s21+$0xFFFFFFF0]  }
0x8d: {  	v17 =	vmul.f32 v17, v18;
	v16 =	vmul.f32 v16, v19;
	_ =	sdelay $0x1  }
0x8e: {  	v16 =	vadd.f32 v16, v17;
	v17 =	vmul.f32 v20, v38;
	_ =	sdelay $0x1  }
0x8f: {  	v16 =	vadd.f32 v17, v16;
	v17 =	vmul.f32 v39, v40;
	_ =	sdelay $0x1  }
0x90: {  	v16 =	vadd.f32 v17, v16;
	_ =	sdelay $0x1  }
0x91: {  	[tilespmem:$0x10870] =	vst v16  }
0x92: {  	v16 =	vld [tilespmem:s22+$0x0]  }
0x93: {  	v17 =	vld [tilespmem:s22+$0x10]  }
0x94: {  	v18 =	vld [tilespmem:s21+$0x0]  }
0x95: {  	v19 =	vld [tilespmem:s21+$0x10]  }
0x96: {  	v20 =	vld [tilespmem:s22+$0x20]  }
0x97: {  	v41 =	vld [tilespmem:s21+$0x20]  }
0x98: {  	v42 =	vld [tilespmem:s22+$0x30]  }
0x99: {  	v43 =	vld [tilespmem:s21+$0x30]  }
0x9a: {  	v16 =	vmul.f32 v16, v18;
	v17 =	vmul.f32 v17, v19;
	_ =	sdelay $0x1  }
0x9b: {  	v16 =	vadd.f32 v17, v16;
	v17 =	vmul.f32 v20, v41;
	_ =	sdelay $0x1  }
0x9c: {  	v16 =	vadd.f32 v17, v16;
	v17 =	vmul.f32 v42, v43;
	_ =	sdelay $0x1  }
0x9d: {  	v16 =	vadd.f32 v17, v16;
	_ =	sdelay $0x1  }
0x9e: {  	[tilespmem:$0x10880] =	vst v16  }
0x9f: {  	v16 =	vld [tilespmem:s22+$0x40]  }
0xa0: {  	v17 =	vld [tilespmem:s22+$0x50]  }
0xa1: {  	v18 =	vld [tilespmem:s21+$0x40]  }
0xa2: {  	v19 =	vld [tilespmem:s21+$0x50]  }
0xa3: {  	v20 =	vld [tilespmem:s21+$0x60]  }
0xa4: {  	v44 =	vld [tilespmem:s22+$0x60]  }
0xa5: {  	v45 =	vld [tilespmem:s21+$0x70]  }
0xa6: {  	v46 =	vld [tilespmem:s22+$0x70]  }
0xa7: {  	v16 =	vmul.f32 v16, v18;
	v17 =	vmul.f32 v17, v19;
	_ =	sdelay $0x1  }
0xa8: {  	v16 =	vadd.f32 v17, v16;
	v17 =	vmul.f32 v44, v20;
	_ =	sdelay $0x1  }
0xa9: {  	v16 =	vadd.f32 v17, v16;
	v17 =	vmul.f32 v46, v45;
	_ =	sdelay $0x1  }
0xaa: {  	v16 =	vadd.f32 v17, v16;
	_ =	sdelay $0x1  }
0xab: {  	[tilespmem:$0x10890] =	vst v16  }
0xac: {  	v16 =	vld [tilespmem:s22+$0x80]  }
0xad: {  	v17 =	vld [tilespmem:s22+$0x90]  }
0xae: {  	v18 =	vld [tilespmem:s21+$0x80]  }
0xaf: {  	v19 =	vld [tilespmem:s21+$0x90]  }
0xb0: {  	v20 =	vld [tilespmem:s21+$0xA0]  }
0xb1: {  	v47 =	vld [tilespmem:s22+$0xA0]  }
0xb2: {  	v48 =	vld [tilespmem:s21+$0xB0]  }
0xb3: {  	v49 =	vld [tilespmem:s22+$0xB0]  }
0xb4: {  	v16 =	vmul.f32 v16, v18;
	v17 =	vmul.f32 v17, v19;
	_ =	sdelay $0x1  }
0xb5: {  	v16 =	vadd.f32 v17, v16;
	v17 =	vmul.f32 v47, v20;
	_ =	sdelay $0x1  }
0xb6: {  	v16 =	vadd.f32 v17, v16;
	v17 =	vmul.f32 v49, v48;
	_ =	sdelay $0x1  }
0xb7: {  	v16 =	vadd.f32 v17, v16;
	_ =	sdelay $0x1  }
0xb8: {  	[tilespmem:$0x108A0] =	vst v16  }
0xb9: {  	v16 =	vld [tilespmem:s22+$0xC0]  }
0xba: {  	v17 =	vld [tilespmem:s22+$0xD0]  }
0xbb: {  	v18 =	vld [tilespmem:s21+$0xC0]  }
0xbc: {  	v19 =	vld [tilespmem:s21+$0xD0]  }
0xbd: {  	v20 =	vld [tilespmem:s21+$0xE0]  }
0xbe: {  	v50 =	vld [tilespmem:s22+$0xE0]  }
0xbf: {  	v51 =	vld [tilespmem:s21+$0xF0]  }
0xc0: {  	v52 =	vld [tilespmem:s22+$0xF0]  }
0xc1: {  	v16 =	vmul.f32 v16, v18;
	v17 =	vmul.f32 v17, v19;
	_ =	sdelay $0x1  }
0xc2: {  	v16 =	vadd.f32 v17, v16;
	v17 =	vmul.f32 v50, v20;
	_ =	sdelay $0x1  }
0xc3: {  	v16 =	vadd.f32 v17, v16;
	v17 =	vmul.f32 v52, v51;
	_ =	sdelay $0x1  }
0xc4: {  	v16 =	vadd.f32 v17, v16;
	_ =	sdelay $0x1  }
0xc5: {  	[tilespmem:$0x108B0] =	vst v16  }
0xc6: {  	v16 =	vld [tilespmem:s22+$0x100]  }
0xc7: {  	v17 =	vld [tilespmem:s22+$0x110]  }
0xc8: {  	v18 =	vld [tilespmem:s21+$0x100]  }
0xc9: {  	v19 =	vld [tilespmem:s21+$0x110]  }
0xca: {  	v20 =	vld [tilespmem:s21+$0x120]  }
0xcb: {  	v53 =	vld [tilespmem:s22+$0x120]  }
0xcc: {  	v54 =	vld [tilespmem:s21+$0x130]  }
0xcd: {  	v55 =	vld [tilespmem:s22+$0x130]  }
0xce: {  	v16 =	vmul.f32 v16, v18;
	v17 =	vmul.f32 v17, v19;
	_ =	sdelay $0x1  }
0xcf: {  	v16 =	vadd.f32 v17, v16;
	v17 =	vmul.f32 v53, v20;
	_ =	sdelay $0x1  }
0xd0: {  	v16 =	vadd.f32 v17, v16;
	v17 =	vmul.f32 v55, v54;
	_ =	sdelay $0x1  }
0xd1: {  	v16 =	vadd.f32 v17, v16;
	_ =	sdelay $0x1  }
0xd2: {  	[tilespmem:$0x108C0] =	vst v16  }
0xd3: {  	v16 =	vld [tilespmem:s22+$0x140]  }
0xd4: {  	v17 =	vld [tilespmem:s22+$0x150]  }
0xd5: {  	v18 =	vld [tilespmem:s21+$0x140]  }
0xd6: {  	v19 =	vld [tilespmem:s21+$0x150]  }
0xd7: {  	v20 =	vld [tilespmem:s21+$0x160]  }
0xd8: {  	v56 =	vld [tilespmem:s22+$0x160]  }
0xd9: {  	v57 =	vld [tilespmem:s21+$0x170]  }
0xda: {  	v58 =	vld [tilespmem:s22+$0x170]  }
0xdb: {  	v16 =	vmul.f32 v16, v18;
	v17 =	vmul.f32 v17, v19;
	_ =	sdelay $0x1  }
0xdc: {  	v16 =	vadd.f32 v17, v16;
	v17 =	vmul.f32 v56, v20;
	_ =	sdelay $0x1  }
0xdd: {  	v16 =	vadd.f32 v17, v16;
	v17 =	vmul.f32 v58, v57;
	_ =	sdelay $0x1  }
0xde: {  	v16 =	vadd.f32 v17, v16;
	_ =	sdelay $0x1  }
0xdf: {  	[tilespmem:$0x108D0] =	vst v16  }
0xe0: {  	v16 =	vld [tilespmem:s22+$0x180]  }
0xe1: {  	v17 =	vld [tilespmem:s22+$0x190]  }
0xe2: {  	v18 =	vld [tilespmem:s21+$0x190]  }
0xe3: {  	v19 =	vld [tilespmem:s21+$0x180]  }
0xe4: {  	v20 =	vld [tilespmem:s21+$0x1A0]  }
0xe5: {  	v59 =	vld [tilespmem:s22+$0x1A0]  }
0xe6: {  	v60 =	vld [tilespmem:s21+$0x1B0]  }
0xe7: {  	v61 =	vld [tilespmem:s22+$0x1B0]  }
0xe8: {  	v17 =	vmul.f32 v17, v18;
	v16 =	vmul.f32 v16, v19;
	_ =	sdelay $0x1  }
0xe9: {  	v16 =	vadd.f32 v17, v16;
	v17 =	vmul.f32 v59, v20;
	_ =	sdelay $0x1  }
0xea: {  	v16 =	vadd.f32 v17, v16;
	v17 =	vmul.f32 v61, v60;
	_ =	sdelay $0x1  }
0xeb: {  	v16 =	vadd.f32 v17, v16;
	_ =	sdelay $0x1  }
0xec: {  	[tilespmem:$0x108E0] =	vst v16  }
0xed: {  	v16 =	vld [tilespmem:s21+$0x1C0]  }
0xee: {  	v17 =	vld [tilespmem:s22+$0x1C0]  }
0xef: {  	v18 =	vld [tilespmem:s22+$0x1D0]  }
0xf0: {  	v19 =	vld [tilespmem:s21+$0x1D0]  }
0xf1: {  	v20 =	vld [tilespmem:s21+$0x1E0]  }
0xf2: {  	v62 =	vld [tilespmem:s22+$0x1E0]  }
0xf3: {  	v63 =	vmul.f32 v17, v16;
	v16 =	vld [tilespmem:s21+$0x1F0]  }
0xf4: {  	v17 =	vld [tilespmem:s22+$0x1F0]  }
0xf5: {  	v18 =	vmul.f32 v18, v19;
	_ =	sdelay $0x1  }
0xf6: {  	s24 =	simm.s32 $0x40;
	s23 =	simm.s32 $0x0;
	v19 =	vmul.f32 v62, v20;
	v18 =	vadd.f32 v18, v63  }
.LBB2_2:
0xf7: {  	p0 =	sne.s32 s24, $0x7C0;
	s21 =	sadd.s32 $0x400, s21;
	s22 =	sadd.s32 $0x400, s22  }
0xf8: {  	s26 =	smov.u32 s24;
	s24 =	sadd.s32 $0x40, s24;
	v18 =	vadd.f32 v19, v18;
	v16 =	vmul.f32 v17, v16;
	_ =	sdelay $0x1  }
0xf9: {  	v16 =	vadd.f32 v16, v18;
	_ =	sdelay $0x1  }
0xfa: {  	s25 =	sshra.s32 s23, $0x2;
	s23 =	smov.u32 s26;
	[tilespmem:$0x108F0] =	vst v16  }
0xfb: {  	v16 =	vld [tilespmem:s25+$0x10400]  }
0xfc: {  	v17 =	vld [tilespmem:s25+$0x10600]  }
0xfd: {  	v18 =	vld.idx.msk [tilespmem:v0+s18+$0x0], $0xffff  }
0xfe: {  	v19 =	vld.idx.msk [tilespmem:v1+s18+$0x0], $0xffff  }
0xff: {  	v20 =	vld.idx.msk [tilespmem:v2+s18+$0x0], $0xffff  }
0x100: {  	v21 =	vld.idx.msk [tilespmem:v3+s18+$0x0], $0xffff  }
0x101: {  	v16 =	vadd.f32 v17, v16;
	v17 =	vld.idx.msk [tilespmem:v4+s18+$0x0], $0xffff  }
0x102: {  	v22 =	vld.idx.msk [tilespmem:v5+s18+$0x0], $0xffff  }
0x103: {  	v16 =	vadd.f32 v18, v16;
	v18 =	vld.idx.msk [tilespmem:v6+s18+$0x0], $0xffff  }
0x104: {  	v23 =	vld.idx.msk [tilespmem:v7+s18+$0x0], $0xffff  }
0x105: {  	v16 =	vadd.f32 v19, v16;
	v19 =	vld.idx.msk [tilespmem:v8+s18+$0x0], $0xffff  }
0x106: {  	v24 =	vld.idx.msk [tilespmem:v9+s18+$0x0], $0xffff  }
0x107: {  	v16 =	vadd.f32 v20, v16;
	v20 =	vld.idx.msk [tilespmem:v10+s18+$0x0], $0xffff  }
0x108: {  	v25 =	vld.idx.msk [tilespmem:v11+s18+$0x0], $0xffff  }
0x109: {  	v16 =	vadd.f32 v21, v16;
	v21 =	vld.idx.msk [tilespmem:v12+s18+$0x0], $0xffff  }
0x10a: {  	v26 =	vld.idx.msk [tilespmem:v13+s18+$0x0], $0xffff  }
0x10b: {  	v16 =	vadd.f32 v17, v16;
	v17 =	vld.idx.msk [tilespmem:v14+s18+$0x0], $0xffff  }
0x10c: {  	v27 =	vld.idx.msk [tilespmem:v15+s18+$0x0], $0xffff  }
0x10d: {  	v16 =	vadd.f32 v22, v16;
	_ =	sdelay $0x1  }
0x10e: {  	v16 =	vadd.f32 v18, v16;
	_ =	sdelay $0x1  }
0x10f: {  	v16 =	vadd.f32 v23, v16;
	_ =	sdelay $0x1  }
0x110: {  	v16 =	vadd.f32 v19, v16;
	_ =	sdelay $0x1  }
0x111: {  	v16 =	vadd.f32 v24, v16;
	_ =	sdelay $0x1  }
0x112: {  	v16 =	vadd.f32 v20, v16;
	_ =	sdelay $0x1  }
0x113: {  	v16 =	vadd.f32 v25, v16;
	_ =	sdelay $0x1  }
0x114: {  	v16 =	vadd.f32 v21, v16;
	_ =	sdelay $0x1  }
0x115: {  	v16 =	vadd.f32 v26, v16;
	_ =	sdelay $0x1  }
0x116: {  	v16 =	vadd.f32 v17, v16;
	_ =	sdelay $0x1  }
0x117: {  	v16 =	vadd.f32 v27, v16;
	_ =	sdelay $0x1  }
0x118: {  	[tilespmem:s25+$0x10900] =	vst v16  }
0x119: {  	v16 =	vld [tilespmem:s21+$0xFFFFFE00]  }
0x11a: {  	v17 =	vld [tilespmem:s22+$0xFFFFFE10]  }
0x11b: {  	v18 =	vld [tilespmem:s21+$0xFFFFFE10]  }
0x11c: {  	v19 =	vld [tilespmem:s22+$0xFFFFFE00]  }
0x11d: {  	v20 =	vld [tilespmem:s22+$0xFFFFFE20]  }
0x11e: {  	v21 =	vld [tilespmem:s21+$0xFFFFFE20]  }
0x11f: {  	v22 =	vld [tilespmem:s22+$0xFFFFFE30]  }
0x120: {  	v17 =	vmul.f32 v17, v18;
	v18 =	vld [tilespmem:s21+$0xFFFFFE30]  }
0x121: {  	v16 =	vmul.f32 v19, v16;
	_ =	sdelay $0x1  }
0x122: {  	v16 =	vadd.f32 v17, v16;
	v17 =	vmul.f32 v20, v21;
	_ =	sdelay $0x1  }
0x123: {  	v16 =	vadd.f32 v17, v16;
	v17 =	vmul.f32 v22, v18;
	_ =	sdelay $0x1  }
0x124: {  	v16 =	vadd.f32 v17, v16;
	_ =	sdelay $0x1  }
0x125: {  	[tilespmem:$0x10800] =	vst v16  }
0x126: {  	v16 =	vld [tilespmem:s22+$0xFFFFFE50]  }
0x127: {  	v17 =	vld [tilespmem:s21+$0xFFFFFE40]  }
0x128: {  	v18 =	vld [tilespmem:s21+$0xFFFFFE50]  }
0x129: {  	v19 =	vld [tilespmem:s22+$0xFFFFFE40]  }
0x12a: {  	v20 =	vld [tilespmem:s22+$0xFFFFFE60]  }
0x12b: {  	v21 =	vld [tilespmem:s21+$0xFFFFFE60]  }
0x12c: {  	v22 =	vld [tilespmem:s22+$0xFFFFFE70]  }
0x12d: {  	v16 =	vmul.f32 v16, v18;
	v18 =	vld [tilespmem:s21+$0xFFFFFE70]  }
0x12e: {  	v17 =	vmul.f32 v19, v17;
	_ =	sdelay $0x1  }
0x12f: {  	v16 =	vadd.f32 v16, v17;
	v17 =	vmul.f32 v20, v21;
	_ =	sdelay $0x1  }
0x130: {  	v16 =	vadd.f32 v17, v16;
	v17 =	vmul.f32 v22, v18;
	_ =	sdelay $0x1  }
0x131: {  	v16 =	vadd.f32 v17, v16;
	_ =	sdelay $0x1  }
0x132: {  	[tilespmem:$0x10810] =	vst v16  }
0x133: {  	v16 =	vld [tilespmem:s21+$0xFFFFFE80]  }
0x134: {  	v17 =	vld [tilespmem:s22+$0xFFFFFE80]  }
0x135: {  	v18 =	vld [tilespmem:s22+$0xFFFFFE90]  }
0x136: {  	v19 =	vld [tilespmem:s21+$0xFFFFFE90]  }
0x137: {  	v20 =	vld [tilespmem:s22+$0xFFFFFEA0]  }
0x138: {  	v21 =	vld [tilespmem:s21+$0xFFFFFEA0]  }
0x139: {  	v16 =	vmul.f32 v17, v16;
	v17 =	vld [tilespmem:s22+$0xFFFFFEB0]  }
0x13a: {  	v22 =	vld [tilespmem:s21+$0xFFFFFEB0]  }
0x13b: {  	v18 =	vmul.f32 v18, v19;
	_ =	sdelay $0x1  }
0x13c: {  	v16 =	vadd.f32 v18, v16;
	v18 =	vmul.f32 v20, v21;
	_ =	sdelay $0x1  }
0x13d: {  	v16 =	vadd.f32 v18, v16;
	v17 =	vmul.f32 v17, v22;
	_ =	sdelay $0x1  }
0x13e: {  	v16 =	vadd.f32 v17, v16;
	_ =	sdelay $0x1  }
0x13f: {  	[tilespmem:$0x10820] =	vst v16  }
0x140: {  	v16 =	vld [tilespmem:s22+$0xFFFFFEC0]  }
0x141: {  	v17 =	vld [tilespmem:s21+$0xFFFFFEC0]  }
0x142: {  	v18 =	vld [tilespmem:s21+$0xFFFFFED0]  }
0x143: {  	v19 =	vld [tilespmem:s22+$0xFFFFFED0]  }
0x144: {  	v20 =	vld [tilespmem:s22+$0xFFFFFEE0]  }
0x145: {  	v21 =	vld [tilespmem:s21+$0xFFFFFEE0]  }
0x146: {  	v16 =	vmul.f32 v16, v17;
	v17 =	vld [tilespmem:s22+$0xFFFFFEF0]  }
0x147: {  	v22 =	vld [tilespmem:s21+$0xFFFFFEF0]  }
0x148: {  	v18 =	vmul.f32 v19, v18;
	_ =	sdelay $0x1  }
0x149: {  	v16 =	vadd.f32 v18, v16;
	v18 =	vmul.f32 v20, v21;
	_ =	sdelay $0x1  }
0x14a: {  	v16 =	vadd.f32 v18, v16;
	v17 =	vmul.f32 v17, v22;
	_ =	sdelay $0x1  }
0x14b: {  	v16 =	vadd.f32 v17, v16;
	_ =	sdelay $0x1  }
0x14c: {  	[tilespmem:$0x10830] =	vst v16  }
0x14d: {  	v16 =	vld [tilespmem:s22+$0xFFFFFF10]  }
0x14e: {  	v17 =	vld [tilespmem:s21+$0xFFFFFF00]  }
0x14f: {  	v18 =	vld [tilespmem:s22+$0xFFFFFF00]  }
0x150: {  	v19 =	vld [tilespmem:s21+$0xFFFFFF10]  }
0x151: {  	v20 =	vld [tilespmem:s22+$0xFFFFFF20]  }
0x152: {  	v21 =	vld [tilespmem:s21+$0xFFFFFF20]  }
0x153: {  	v22 =	vld [tilespmem:s22+$0xFFFFFF30]  }
0x154: {  	v17 =	vmul.f32 v18, v17;
	v18 =	vld [tilespmem:s21+$0xFFFFFF30]  }
0x155: {  	v16 =	vmul.f32 v16, v19;
	_ =	sdelay $0x1  }
0x156: {  	v16 =	vadd.f32 v16, v17;
	v17 =	vmul.f32 v20, v21;
	_ =	sdelay $0x1  }
0x157: {  	v16 =	vadd.f32 v17, v16;
	v17 =	vmul.f32 v22, v18;
	_ =	sdelay $0x1  }
0x158: {  	v16 =	vadd.f32 v17, v16;
	_ =	sdelay $0x1  }
0x159: {  	[tilespmem:$0x10840] =	vst v16  }
0x15a: {  	v16 =	vld [tilespmem:s22+$0xFFFFFF50]  }
0x15b: {  	v17 =	vld [tilespmem:s21+$0xFFFFFF40]  }
0x15c: {  	v18 =	vld [tilespmem:s22+$0xFFFFFF40]  }
0x15d: {  	v19 =	vld [tilespmem:s21+$0xFFFFFF50]  }
0x15e: {  	v20 =	vld [tilespmem:s22+$0xFFFFFF60]  }
0x15f: {  	v21 =	vld [tilespmem:s21+$0xFFFFFF60]  }
0x160: {  	v22 =	vld [tilespmem:s22+$0xFFFFFF70]  }
0x161: {  	v17 =	vmul.f32 v18, v17;
	v18 =	vld [tilespmem:s21+$0xFFFFFF70]  }
0x162: {  	v16 =	vmul.f32 v16, v19;
	_ =	sdelay $0x1  }
0x163: {  	v16 =	vadd.f32 v16, v17;
	v17 =	vmul.f32 v20, v21;
	_ =	sdelay $0x1  }
0x164: {  	v16 =	vadd.f32 v17, v16;
	v17 =	vmul.f32 v22, v18;
	_ =	sdelay $0x1  }
0x165: {  	v16 =	vadd.f32 v17, v16;
	_ =	sdelay $0x1  }
0x166: {  	[tilespmem:$0x10850] =	vst v16  }
0x167: {  	v16 =	vld [tilespmem:s22+$0xFFFFFF80]  }
0x168: {  	v17 =	vld [tilespmem:s22+$0xFFFFFF90]  }
0x169: {  	v18 =	vld [tilespmem:s21+$0xFFFFFF90]  }
0x16a: {  	v19 =	vld [tilespmem:s21+$0xFFFFFF80]  }
0x16b: {  	v20 =	vld [tilespmem:s22+$0xFFFFFFA0]  }
0x16c: {  	v21 =	vld [tilespmem:s21+$0xFFFFFFA0]  }
0x16d: {  	v22 =	vld [tilespmem:s22+$0xFFFFFFB0]  }
0x16e: {  	v17 =	vmul.f32 v17, v18;
	v18 =	vld [tilespmem:s21+$0xFFFFFFB0]  }
0x16f: {  	v16 =	vmul.f32 v16, v19;
	_ =	sdelay $0x1  }
0x170: {  	v16 =	vadd.f32 v17, v16;
	v17 =	vmul.f32 v20, v21;
	_ =	sdelay $0x1  }
0x171: {  	v16 =	vadd.f32 v17, v16;
	v17 =	vmul.f32 v22, v18;
	_ =	sdelay $0x1  }
0x172: {  	v16 =	vadd.f32 v17, v16;
	_ =	sdelay $0x1  }
0x173: {  	[tilespmem:$0x10860] =	vst v16  }
0x174: {  	v16 =	vld [tilespmem:s22+$0xFFFFFFD0]  }
0x175: {  	v17 =	vld [tilespmem:s22+$0xFFFFFFC0]  }
0x176: {  	v18 =	vld [tilespmem:s21+$0xFFFFFFC0]  }
0x177: {  	v19 =	vld [tilespmem:s21+$0xFFFFFFD0]  }
0x178: {  	v20 =	vld [tilespmem:s22+$0xFFFFFFE0]  }
0x179: {  	v21 =	vld [tilespmem:s21+$0xFFFFFFE0]  }
0x17a: {  	v22 =	vld [tilespmem:s22+$0xFFFFFFF0]  }
0x17b: {  	v17 =	vmul.f32 v17, v18;
	v18 =	vld [tilespmem:s21+$0xFFFFFFF0]  }
0x17c: {  	v16 =	vmul.f32 v16, v19;
	_ =	sdelay $0x1  }
0x17d: {  	v16 =	vadd.f32 v16, v17;
	v17 =	vmul.f32 v20, v21;
	_ =	sdelay $0x1  }
0x17e: {  	v16 =	vadd.f32 v17, v16;
	v17 =	vmul.f32 v22, v18;
	_ =	sdelay $0x1  }
0x17f: {  	v16 =	vadd.f32 v17, v16;
	_ =	sdelay $0x1  }
0x180: {  	[tilespmem:$0x10870] =	vst v16  }
0x181: {  	v16 =	vld [tilespmem:s22+$0x0]  }
0x182: {  	v17 =	vld [tilespmem:s22+$0x10]  }
0x183: {  	v18 =	vld [tilespmem:s21+$0x0]  }
0x184: {  	v19 =	vld [tilespmem:s21+$0x10]  }
0x185: {  	v20 =	vld [tilespmem:s22+$0x20]  }
0x186: {  	v21 =	vld [tilespmem:s21+$0x20]  }
0x187: {  	v22 =	vld [tilespmem:s22+$0x30]  }
0x188: {  	v16 =	vmul.f32 v16, v18;
	v18 =	vld [tilespmem:s21+$0x30]  }
0x189: {  	v17 =	vmul.f32 v17, v19;
	_ =	sdelay $0x1  }
0x18a: {  	v16 =	vadd.f32 v17, v16;
	v17 =	vmul.f32 v20, v21;
	_ =	sdelay $0x1  }
0x18b: {  	v16 =	vadd.f32 v17, v16;
	v17 =	vmul.f32 v22, v18;
	_ =	sdelay $0x1  }
0x18c: {  	v16 =	vadd.f32 v17, v16;
	_ =	sdelay $0x1  }
0x18d: {  	[tilespmem:$0x10880] =	vst v16  }
0x18e: {  	v16 =	vld [tilespmem:s22+$0x40]  }
0x18f: {  	v17 =	vld [tilespmem:s22+$0x50]  }
0x190: {  	v18 =	vld [tilespmem:s21+$0x40]  }
0x191: {  	v19 =	vld [tilespmem:s21+$0x50]  }
0x192: {  	v20 =	vld [tilespmem:s21+$0x60]  }
0x193: {  	v21 =	vld [tilespmem:s22+$0x60]  }
0x194: {  	v22 =	vld [tilespmem:s21+$0x70]  }
0x195: {  	v16 =	vmul.f32 v16, v18;
	v18 =	vld [tilespmem:s22+$0x70]  }
0x196: {  	v17 =	vmul.f32 v17, v19;
	_ =	sdelay $0x1  }
0x197: {  	v16 =	vadd.f32 v17, v16;
	v17 =	vmul.f32 v21, v20;
	_ =	sdelay $0x1  }
0x198: {  	v16 =	vadd.f32 v17, v16;
	v17 =	vmul.f32 v18, v22;
	_ =	sdelay $0x1  }
0x199: {  	v16 =	vadd.f32 v17, v16;
	_ =	sdelay $0x1  }
0x19a: {  	[tilespmem:$0x10890] =	vst v16  }
0x19b: {  	v16 =	vld [tilespmem:s22+$0x80]  }
0x19c: {  	v17 =	vld [tilespmem:s22+$0x90]  }
0x19d: {  	v18 =	vld [tilespmem:s21+$0x80]  }
0x19e: {  	v19 =	vld [tilespmem:s21+$0x90]  }
0x19f: {  	v20 =	vld [tilespmem:s21+$0xA0]  }
0x1a0: {  	v21 =	vld [tilespmem:s22+$0xA0]  }
0x1a1: {  	v22 =	vld [tilespmem:s21+$0xB0]  }
0x1a2: {  	v16 =	vmul.f32 v16, v18;
	v18 =	vld [tilespmem:s22+$0xB0]  }
0x1a3: {  	v17 =	vmul.f32 v17, v19;
	_ =	sdelay $0x1  }
0x1a4: {  	v16 =	vadd.f32 v17, v16;
	v17 =	vmul.f32 v21, v20;
	_ =	sdelay $0x1  }
0x1a5: {  	v16 =	vadd.f32 v17, v16;
	v17 =	vmul.f32 v18, v22;
	_ =	sdelay $0x1  }
0x1a6: {  	v16 =	vadd.f32 v17, v16;
	_ =	sdelay $0x1  }
0x1a7: {  	[tilespmem:$0x108A0] =	vst v16  }
0x1a8: {  	v16 =	vld [tilespmem:s22+$0xC0]  }
0x1a9: {  	v17 =	vld [tilespmem:s22+$0xD0]  }
0x1aa: {  	v18 =	vld [tilespmem:s21+$0xC0]  }
0x1ab: {  	v19 =	vld [tilespmem:s21+$0xD0]  }
0x1ac: {  	v20 =	vld [tilespmem:s21+$0xE0]  }
0x1ad: {  	v21 =	vld [tilespmem:s22+$0xE0]  }
0x1ae: {  	v22 =	vld [tilespmem:s21+$0xF0]  }
0x1af: {  	v16 =	vmul.f32 v16, v18;
	v18 =	vld [tilespmem:s22+$0xF0]  }
0x1b0: {  	v17 =	vmul.f32 v17, v19;
	_ =	sdelay $0x1  }
0x1b1: {  	v16 =	vadd.f32 v17, v16;
	v17 =	vmul.f32 v21, v20;
	_ =	sdelay $0x1  }
0x1b2: {  	v16 =	vadd.f32 v17, v16;
	v17 =	vmul.f32 v18, v22;
	_ =	sdelay $0x1  }
0x1b3: {  	v16 =	vadd.f32 v17, v16;
	_ =	sdelay $0x1  }
0x1b4: {  	[tilespmem:$0x108B0] =	vst v16  }
0x1b5: {  	v16 =	vld [tilespmem:s22+$0x100]  }
0x1b6: {  	v17 =	vld [tilespmem:s22+$0x110]  }
0x1b7: {  	v18 =	vld [tilespmem:s21+$0x100]  }
0x1b8: {  	v19 =	vld [tilespmem:s21+$0x110]  }
0x1b9: {  	v20 =	vld [tilespmem:s21+$0x120]  }
0x1ba: {  	v21 =	vld [tilespmem:s22+$0x120]  }
0x1bb: {  	v22 =	vld [tilespmem:s21+$0x130]  }
0x1bc: {  	v16 =	vmul.f32 v16, v18;
	v18 =	vld [tilespmem:s22+$0x130]  }
0x1bd: {  	v17 =	vmul.f32 v17, v19;
	_ =	sdelay $0x1  }
0x1be: {  	v16 =	vadd.f32 v17, v16;
	v17 =	vmul.f32 v21, v20;
	_ =	sdelay $0x1  }
0x1bf: {  	v16 =	vadd.f32 v17, v16;
	v17 =	vmul.f32 v18, v22;
	_ =	sdelay $0x1  }
0x1c0: {  	v16 =	vadd.f32 v17, v16;
	_ =	sdelay $0x1  }
0x1c1: {  	[tilespmem:$0x108C0] =	vst v16  }
0x1c2: {  	v16 =	vld [tilespmem:s22+$0x140]  }
0x1c3: {  	v17 =	vld [tilespmem:s22+$0x150]  }
0x1c4: {  	v18 =	vld [tilespmem:s21+$0x140]  }
0x1c5: {  	v19 =	vld [tilespmem:s21+$0x150]  }
0x1c6: {  	v20 =	vld [tilespmem:s21+$0x160]  }
0x1c7: {  	v21 =	vld [tilespmem:s22+$0x160]  }
0x1c8: {  	v22 =	vld [tilespmem:s21+$0x170]  }
0x1c9: {  	v16 =	vmul.f32 v16, v18;
	v18 =	vld [tilespmem:s22+$0x170]  }
0x1ca: {  	v17 =	vmul.f32 v17, v19;
	_ =	sdelay $0x1  }
0x1cb: {  	v16 =	vadd.f32 v17, v16;
	v17 =	vmul.f32 v21, v20;
	_ =	sdelay $0x1  }
0x1cc: {  	v16 =	vadd.f32 v17, v16;
	v17 =	vmul.f32 v18, v22;
	_ =	sdelay $0x1  }
0x1cd: {  	v16 =	vadd.f32 v17, v16;
	_ =	sdelay $0x1  }
0x1ce: {  	[tilespmem:$0x108D0] =	vst v16  }
0x1cf: {  	v16 =	vld [tilespmem:s22+$0x180]  }
0x1d0: {  	v17 =	vld [tilespmem:s22+$0x190]  }
0x1d1: {  	v18 =	vld [tilespmem:s21+$0x190]  }
0x1d2: {  	v19 =	vld [tilespmem:s21+$0x180]  }
0x1d3: {  	v20 =	vld [tilespmem:s21+$0x1A0]  }
0x1d4: {  	v21 =	vld [tilespmem:s22+$0x1A0]  }
0x1d5: {  	v22 =	vld [tilespmem:s21+$0x1B0]  }
0x1d6: {  	v17 =	vmul.f32 v17, v18;
	v18 =	vld [tilespmem:s22+$0x1B0]  }
0x1d7: {  	v16 =	vmul.f32 v16, v19;
	_ =	sdelay $0x1  }
0x1d8: {  	v16 =	vadd.f32 v17, v16;
	v17 =	vmul.f32 v21, v20;
	_ =	sdelay $0x1  }
0x1d9: {  	v16 =	vadd.f32 v17, v16;
	v17 =	vmul.f32 v18, v22;
	_ =	sdelay $0x1  }
0x1da: {  	v16 =	vadd.f32 v17, v16;
	_ =	sdelay $0x1  }
0x1db: {  	[tilespmem:$0x108E0] =	vst v16  }
0x1dc: {  	v16 =	vld [tilespmem:s21+$0x1C0]  }
0x1dd: {  	v17 =	vld [tilespmem:s22+$0x1C0]  }
0x1de: {  	v18 =	vld [tilespmem:s22+$0x1D0]  }
0x1df: {  	v19 =	vld [tilespmem:s21+$0x1D0]  }
0x1e0: {  	v20 =	vld [tilespmem:s21+$0x1E0]  }
0x1e1: {  	v21 =	vld [tilespmem:s22+$0x1E0]  }
.Ltmp0:
0x1e2: {  	v22 =	vmul.f32 v17, v16;
	v16 =	vld [tilespmem:s21+$0x1F0];
	(pc) =	sbr.rel @p0 .LBB2_2-.Ltmp0, $3  }
0x1e3: {  	v17 =	vld [tilespmem:s22+$0x1F0]  }
0x1e4: {  	v18 =	vmul.f32 v18, v19;
	_ =	sdelay $0x1  }
0x1e5: {  	v18 =	vadd.f32 v18, v22;
	v19 =	vmul.f32 v21, v20  }
0x1e6: {  	_ = 	snop  }
0x1e7: {  	v18 =	vadd.f32 v19, v18;
	v16 =	vmul.f32 v17, v16;
	_ =	sdelay $0x1  }
0x1e8: {  	v16 =	vadd.f32 v16, v18;
	_ =	sdelay $0x1  }
0x1e9: {  	s21 =	sshra.s32 s23, $0x2;
	[tilespmem:$0x108F0] =	vst v16  }
0x1ea: {  	v16 =	vld [tilespmem:s21+$0x10400]  }
0x1eb: {  	v17 =	vld [tilespmem:s21+$0x10600];
	_ =	sdelay $0x1  }
0x1ec: {  	v53 =	vld.idx.msk [tilespmem:v0+s18+$0x0], $0xffff;
	_ =	sdelay $0x1  }
0x1ed: {  	v54 =	vld.idx.msk [tilespmem:v1+s18+$0x0], $0xffff  }
0x1ee: {  	v16 =	vadd.f32 v17, v16  }
0x1ef: {  	v17 =	vld.idx.msk [tilespmem:v2+s18+$0x0], $0xffff  }
0x1f0: {  	v16 =	vadd.f32 v53, v16  }
0x1f1: {  	v55 =	vld.idx.msk [tilespmem:v3+s18+$0x0], $0xffff  }
0x1f2: {  	v16 =	vadd.f32 v54, v16  }
0x1f3: {  	v56 =	vld.idx.msk [tilespmem:v4+s18+$0x0], $0xffff  }
0x1f4: {  	v16 =	vadd.f32 v17, v16  }
0x1f5: {  	v17 =	vld.idx.msk [tilespmem:v5+s18+$0x0], $0xffff  }
0x1f6: {  	v16 =	vadd.f32 v55, v16  }
0x1f7: {  	v57 =	vld.idx.msk [tilespmem:v6+s18+$0x0], $0xffff  }
0x1f8: {  	v16 =	vadd.f32 v56, v16  }
0x1f9: {  	v58 =	vld.idx.msk [tilespmem:v7+s18+$0x0], $0xffff  }
0x1fa: {  	v16 =	vadd.f32 v17, v16  }
0x1fb: {  	v17 =	vld.idx.msk [tilespmem:v8+s18+$0x0], $0xffff  }
0x1fc: {  	v16 =	vadd.f32 v57, v16  }
0x1fd: {  	v59 =	vld.idx.msk [tilespmem:v9+s18+$0x0], $0xffff  }
0x1fe: {  	v16 =	vadd.f32 v58, v16  }
0x1ff: {  	v60 =	vld.idx.msk [tilespmem:v10+s18+$0x0], $0xffff  }
0x200: {  	v16 =	vadd.f32 v17, v16  }
0x201: {  	v17 =	vld.idx.msk [tilespmem:v11+s18+$0x0], $0xffff  }
0x202: {  	v16 =	vadd.f32 v59, v16  }
0x203: {  	v61 =	vld.idx.msk [tilespmem:v12+s18+$0x0], $0xffff  }
0x204: {  	v16 =	vadd.f32 v60, v16  }
0x205: {  	v62 =	vld.idx.msk [tilespmem:v13+s18+$0x0], $0xffff  }
0x206: {  	v16 =	vadd.f32 v17, v16  }
0x207: {  	v17 =	vld.idx.msk [tilespmem:v14+s18+$0x0], $0xffff  }
0x208: {  	v16 =	vadd.f32 v61, v16  }
0x209: {  	v63 =	vld.idx.msk [tilespmem:v15+s18+$0x0], $0xffff  }
0x20a: {  	v16 =	vadd.f32 v62, v16;
	_ =	sdelay $0x1  }
0x20b: {  	v16 =	vadd.f32 v17, v16;
	_ =	sdelay $0x1  }
0x20c: {  	s20 =	sadd.s32 $0x1, s20;
	v16 =	vadd.f32 v63, v16  }
0x20d: {  	p0 =	sne.s32 s20, s10  }
.Ltmp1:
0x20e: {  	[tilespmem:s21+$0x10900] =	vst v16;
	(pc) =	sbr.rel @p0 .LBB2_1-.Ltmp1, $4  }
0x20f: {  	[hbm4b:s9+s2] =	stream.linear.scatter [tilespmem:s19], [sflag:$0x2], $0x200, $0x38;
	[tilespmem:$0x10B00] =	vst v63  }
0x210: {  	_ =	swait.ge [sflag:s11], $0x200  }
0x211: {  	[sflag:s11] =	ssyncset.done $0x0  }
0x212: {  	[sflag:s11] =	ssyncadd.s32 $0xFFFFFE00  }
0x213: {  	_ =	sfence.sel $0x180000  }
0x214: {  	[bflag:$0x0] =	sbarrier.arrive $0xFFFF  }
0x215: {  	p0 =	sne.s32 s3, $0x0;
	_ =	strace $0x90000047  }
0x216: {  	s0 =	sadd.s32 @!p0 $0x100000, s0;
	[bflag:$0x2] =	sbarrier.arrive $0xFFFF  }
0x217: {  	[sflag:s0] =	ssyncadd.tile.s32 @!p0 $0x1;
	_ =	shalt  }
.Lfunc_end2:
_tile_overlayer_lowered:
.L_overlay_start_2:
0x218: {  	(tag) =	ssettag $0x2  }
0x219: {  	s0 =	rddreg [dreg:$0x0];
	s2 =	stileid.u32  }
0x21a: {  	s1 =	rddreg [dreg:$0x1];
	p0 =	sne.s32 s2, $0x0  }
0x21b: {  	s3 =	rddreg [dreg:$0x2];
	[bflag:$0x3] =	sbarrier.arrive $0xFFFF;
	s2 =	simm.s32 @!p0 $0x1C02  }
0x21c: {  	[timem:s3], [sflag:s2] =	dma.local @!p0 [hbm:s0], s1  }
0x21d: {  	s0 =	simm.s32 @!p0 $0x2  }
0x21e: {  	_ =	swait.ge @!p0 [sflag:s0], s1  }
0x21f: {  	s1 =	ssub.s32 @!p0 $0x0, s1;
	[sflag:s0] =	ssyncset.done @!p0 $0x0  }
0x220: {  	[sflag:s0] =	ssyncadd.s32 @!p0 s1  }
0x221: {  	[bflag:$0x3] =	sbarrier.arrive $0xFFFF  }
0x222: {  	_ =	shalt  }

</sc_bundles>
